<compile_context>
chip_gen: v7x
topology: tpu7x:2x2x1
jax: 0.10.2.dev20260603
libtpu: 0.0.44.dev20260713+nightly
codegen_flags: <defaults>
</compile_context>

<pallas_src>
import functools

import jax
import jax.numpy as jnp
from jax import lax
from jax.experimental import pallas as pl
from jax.experimental.pallas import tpu as pltpu
from jax.experimental.pallas import tpu_sc as plsc

_NC = 2
_NS = 16
_L = 16

_BAND = 128
_NRANGE = 8
_CCOLS = 368

_TC_BLK = 4096
_SC_COLS = 11 * _TC_BLK


def _argmax_sc(probs_t, vocab, num_rows):
    nbands = num_rows // _BAND
    range_cols = -(-vocab // _NRANGE)
    range_cols = -(-range_cols // 8) * 8
    nchunk = -(-range_cols // _CCOLS)
    nchunk += nchunk % 2
    last_start = vocab - _CCOLS
    npart = _NRANGE * num_rows
    mesh = plsc.VectorSubcoreMesh(
        core_axis_name="c", subcore_axis_name="s",
        num_cores=_NC, num_subcores=_NS)

    @functools.partial(
        pl.kernel,
        out_type=(jax.ShapeDtypeStruct((npart,), jnp.float32),
                  jax.ShapeDtypeStruct((npart,), jnp.int32)),
        mesh=mesh,
        scratch_types=[
            pltpu.VMEM((_CCOLS, _BAND), jnp.float32),
            pltpu.VMEM((_CCOLS, _BAND), jnp.float32),
            pltpu.VMEM((_BAND,), jnp.float32),
            pltpu.VMEM((_BAND,), jnp.int32),
            pltpu.SemaphoreType.DMA,
            pltpu.SemaphoreType.DMA,
        ],
        compiler_params=pltpu.CompilerParams(use_tc_tiling_on_sc=True),
    )
    def body(pt_hbm, out_val, out_idx, buf0, buf1, stgv, stgi, sem0, sem1):
        c = lax.axis_index("c")
        s = lax.axis_index("s")
        band = nbands // _NC * c + s // _NRANGE
        rng = s % _NRANGE
        col0 = rng * range_cols
        lane = lax.broadcasted_iota(jnp.int32, (_L,), 0)
        neg = jnp.full((_L,), -1.0, jnp.float32)
        zero = jnp.zeros((_L,), jnp.int32)
        ngroups = _BAND // _L

        def chunk_src(k):
            start = jnp.minimum(col0 + k * _CCOLS, last_start)
            return pt_hbm.at[pl.ds(start, _CCOLS), pl.ds(band * _BAND, _BAND)]

        pltpu.async_copy(chunk_src(0), buf0, sem0)

        def scan_chunk(k, buf, sem, nbuf, nsem, accs):
            pltpu.async_copy(chunk_src(k + 1), nbuf, nsem)
            pltpu.make_async_copy(chunk_src(k), buf, sem).wait()
            cbase = jnp.minimum(col0 + k * _CCOLS, last_start)

            def col_body(cc, a2):
                vs = list(a2[:ngroups])
                vi = list(a2[ngroups:])
                colidx = cbase + cc
                for r in range(ngroups):
                    x = buf[cc, pl.ds(r * _L, _L)]
                    m = x > vs[r]
                    vs[r] = jnp.where(m, x, vs[r])
                    vi[r] = jnp.where(
                        m, jnp.broadcast_to(colidx, (_L,)), vi[r])
                return tuple(vs) + tuple(vi)

            return lax.fori_loop(0, _CCOLS, col_body, accs)

        def pair_body(kk, accs):
            accs = scan_chunk(2 * kk, buf0, sem0, buf1, sem1, accs)
            accs = scan_chunk(2 * kk + 1, buf1, sem1, buf0, sem0, accs)
            return accs

        init = tuple([neg] * ngroups) + tuple([zero] * ngroups)
        accs = lax.fori_loop(0, nchunk // 2, pair_body, init)
        pltpu.make_async_copy(chunk_src(nchunk), buf0, sem0).wait()
        for r in range(ngroups):
            stgv[pl.ds(r * _L, _L)] = accs[r]
            stgi[pl.ds(r * _L, _L)] = accs[ngroups + r]
        off = rng * num_rows + band * _BAND
        pltpu.sync_copy(stgv, out_val.at[pl.ds(off, _BAND)])
        pltpu.sync_copy(stgi, out_idx.at[pl.ds(off, _BAND)])

    return body(probs_t)


def _argmax_tc(probs_t, col_start, vocab, num_rows):
    grid = -(-(vocab - col_start) // _TC_BLK)

    def body(x_ref, val_ref, idx_ref, vacc, iacc):
        k = pl.program_id(0)
        cols = lax.broadcasted_iota(jnp.int32, (_TC_BLK, num_rows), 0) + (
            col_start + k * _TC_BLK)
        x = jnp.where(cols < vocab, x_ref[...], -1.0)
        bm = jnp.max(x, axis=0, keepdims=True)

        bi = jnp.argmax(x, axis=0, keepdims=True).astype(jnp.int32) + (
            col_start + k * _TC_BLK)

        @pl.when(k == 0)
        def _():
            vacc[...] = bm
            iacc[...] = bi

        @pl.when(k > 0)
        def _():
            better = bm > vacc[...]
            vacc[...] = jnp.where(better, bm, vacc[...])
            iacc[...] = jnp.where(better, bi, iacc[...])

        @pl.when(k == grid - 1)
        def _():
            val_ref[...] = vacc[...]
            idx_ref[...] = iacc[...]

    return pl.pallas_call(
        body,
        grid=(grid,),
        in_specs=[pl.BlockSpec((_TC_BLK, num_rows),
                               lambda k: (col_start // _TC_BLK + k, 0))],
        out_specs=(pl.BlockSpec((1, num_rows), lambda k: (0, 0)),
                   pl.BlockSpec((1, num_rows), lambda k: (0, 0))),
        out_shape=(jax.ShapeDtypeStruct((1, num_rows), jnp.float32),
                   jax.ShapeDtypeStruct((1, num_rows), jnp.int32)),
        scratch_shapes=[pltpu.VMEM((1, num_rows), jnp.float32),
                        pltpu.VMEM((1, num_rows), jnp.int32)],
    )(probs_t)


def _merge_epilogue_tc(val_p, idx_p, val1, idx1, draft, cu2d, bonus,
                       num_rows, spec):
    batch = num_rows // spec
    sentinel = 2 * spec

    def body(v8_ref, i8_ref, v1_ref, i1_ref, tam_ref):
        vs = [v8_ref[pl.ds(r * num_rows, num_rows)] for r in range(_NRANGE)]
        is_ = [i8_ref[pl.ds(r * num_rows, num_rows)] for r in range(_NRANGE)]
        vs.append(v1_ref[...])
        is_.append(i1_ref[...])
        best = vs[0]
        for v in vs[1:]:
            best = jnp.maximum(best, v)
        cand = jnp.where(vs[0] == best, is_[0], 2**30)
        for v, i in zip(vs[1:], is_[1:]):
            cand = jnp.minimum(cand, jnp.where(v == best, i, 2**30))
        tam_ref[...] = cand

    tam = pl.pallas_call(
        body,
        out_shape=jax.ShapeDtypeStruct((num_rows,), jnp.int32),
    )(val_p, idx_p, val1, idx1)

    def body2(tam_ref, draft_ref, cu_ref, bonus_ref, out_ref):
        tam = tam_ref[...]
        draft = draft_ref[...]
        cu = cu_ref[...]
        bns = bonus_ref[...]
        cu_prev = jnp.concatenate(
            [jnp.zeros((1, 1), jnp.int32), cu[:-1, :]], axis=0)
        dpr = cu - cu_prev
        pos = lax.broadcasted_iota(jnp.int32, (batch, spec), 1)
        mm_pos = jnp.where(draft != tam, pos, sentinel)
        fm = jnp.min(mm_pos, axis=1, keepdims=True)
        fm = jnp.where(fm == sentinel, dpr, fm)
        copy_len = jnp.minimum(fm + 1, dpr)
        main = jnp.where(pos < copy_len, tam, -1)
        bcol = jnp.where(fm >= dpr, bns, -1)
        out_ref[...] = jnp.concatenate([main, bcol], axis=1)

    return pl.pallas_call(
        body2,
        out_shape=jax.ShapeDtypeStruct((batch, spec + 1), jnp.int32),
    )(tam.reshape(batch, spec), draft.reshape(batch, spec), cu2d, bonus)


def kernel(draft_token_ids, cu_num_draft_tokens, target_probs,
           bonus_token_ids, max_spec_len):
    num_tokens, vocab = target_probs.shape
    batch = cu_num_draft_tokens.shape[0]
    spec = num_tokens // batch
    probs_t = target_probs.T
    val_p, idx_p = _argmax_sc(probs_t, _SC_COLS, num_tokens)
    val_t, idx_t = _argmax_tc(probs_t, _SC_COLS, vocab, num_tokens)
    return _merge_epilogue_tc(
        val_p, idx_p,
        val_t.reshape(num_tokens), idx_t.reshape(num_tokens),
        draft_token_ids,
        cu_num_draft_tokens.reshape(batch, 1).astype(jnp.int32),
        bonus_token_ids.astype(jnp.int32),
        num_tokens, spec)

# --- scband reference (transcript-rebuilt; emitter-appended) ---
"""Pipeline reference for scband-ascend-rejection-sampler-11501922419477 (READ-ONLY COPY).

The authoritative reference and input builder live on the scoring server;
editing this copy changes nothing except your own understanding.
"""

import jax, jax.numpy as jnp
import numpy as np

BATCH = 128
SPEC = 4
NUM_TOKENS = BATCH * SPEC
VOCAB = 100000
PLACEHOLDER_TOKEN_ID = -1


def setup_inputs(seed: int = 0) -> dict:
    key = jax.random.key(seed)
    k1, k2, k3 = jax.random.split(key, 3)
    draft_token_ids = jax.random.randint(k1, (NUM_TOKENS,), 0, VOCAB, dtype=jnp.int32)
    target_probs = jax.random.uniform(k2, (NUM_TOKENS, VOCAB), dtype=jnp.float32)
    target_probs = target_probs / jnp.sum(target_probs, axis=-1, keepdims=True)
    bonus_token_ids = jax.random.randint(k3, (BATCH, 1), 0, VOCAB, dtype=jnp.int32)
    cu_num_draft_tokens = (jnp.arange(BATCH, dtype=jnp.int32) + 1) * SPEC
    return {
        'draft_token_ids': draft_token_ids,
        'cu_num_draft_tokens': cu_num_draft_tokens,
        'target_probs': target_probs,
        'bonus_token_ids': bonus_token_ids,
        'max_spec_len': SPEC,
    }


def reference(draft_token_ids, cu_num_draft_tokens, target_probs, bonus_token_ids, max_spec_len):
    # Greedy rejection sampling path (all_greedy) of AscendRejectionSampler.
    batch_size = cu_num_draft_tokens.shape[0]
    num_tokens = draft_token_ids.shape[0]
    spec_static = num_tokens // batch_size
    spec = max_spec_len
    draft_per_req = jnp.diff(jnp.concatenate([jnp.zeros((1,), dtype=cu_num_draft_tokens.dtype), cu_num_draft_tokens]))
    start_indices = cu_num_draft_tokens - draft_per_req
    # target argmax over vocab (the memory-bound reduction)
    target_argmax = jnp.argmax(target_probs, axis=-1).astype(jnp.int32)
    # uniform spec length per request -> reshape tokens to [batch, spec]
    mismatch = (draft_token_ids != target_argmax).reshape(batch_size, spec_static)
    pos = jnp.arange(spec_static, dtype=jnp.int32)
    mismatch_positions = jnp.where(mismatch, pos[None, :], 2 * spec)
    first_mismatch = jnp.min(mismatch_positions, axis=1)
    no_mismatch = first_mismatch == 2 * spec
    first_mismatch = jnp.where(no_mismatch, draft_per_req, first_mismatch)
    copy_len = jnp.minimum(first_mismatch + 1, draft_per_req)
    copy_indices = jnp.arange(spec_static + 1, dtype=jnp.int32)[None, :]
    copy_mask = copy_indices < copy_len[:, None]
    global_idx = jnp.clip(start_indices[:, None] + copy_indices, 0, num_tokens - 1)
    gathered = target_argmax[global_idx]
    out = jnp.where(copy_mask, gathered, PLACEHOLDER_TOKEN_ID).astype(jnp.int32)
    # bonus token when all draft tokens accepted
    needs_bonus = first_mismatch >= draft_per_req
    bonus = bonus_token_ids[:, 0]
    col_is_bonus = (copy_indices == draft_per_req[:, None]) & needs_bonus[:, None]
    out = jnp.where(col_is_bonus, bonus[:, None], out)
    return out

if __name__ == "__main__":
    import jax
    _d = setup_inputs()
    print(jax.jit(kernel)(*tuple(_d.values())))

</pallas_src>

<mosaic_0001>
#map = affine_map<(d0, d1) -> (0, 0)>
#map1 = affine_map<(d0, d1) -> (0)>
module attributes {stable_mosaic.version = 14 : i64} {
  func.func @body(%arg0: i32, %arg1: i32, %arg2: memref<100000x512xf32, #tpu.memory_space<hbm>>, %arg3: memref<4096xf32, #tpu.memory_space<hbm>>, %arg4: memref<4096xi32, #tpu.memory_space<hbm>>, %arg5: memref<368x128xf32, #tpu.memory_space<vmem>>, %arg6: memref<368x128xf32, #tpu.memory_space<vmem>>, %arg7: memref<128xf32, #tpu.memory_space<vmem>>, %arg8: memref<128xi32, #tpu.memory_space<vmem>>, %arg9: memref<!tpu.dma_semaphore, #tpu.memory_space<semaphore_mem>>, %arg10: memref<!tpu.dma_semaphore, #tpu.memory_space<semaphore_mem>>) attributes {dimension_semantics = [#tpu.dimension_semantics<core_parallel>, #tpu.dimension_semantics<subcore_parallel>], iteration_bounds = array<i64: 2, 16>, scalar_prefetch = 0 : i64, scratch_operands = 6 : i64, tpu.core_type = #tpu.core_type<sc_vector_subcore>, window_params = [{transform_indices = #map}, {transform_indices = #map1}, {transform_indices = #map1}]} {
    %mul3A = arith.constant 2 : i32
    %mul3A_0 = arith.muli %mul3A, %arg0 : i32
    %jit3A = arith.constant 8 : i32
    %div3A = arith.divsi %arg1, %jit3A : i32
    %sign3A = arith.constant 0 : i32
    %sign3A_1 = arith.cmpi sgt, %arg1, %sign3A : i32
    %sign3A_2 = arith.extui %sign3A_1 : i1 to i32
    %sign3A_3 = arith.constant 0 : i32
    %sign3A_4 = arith.cmpi slt, %arg1, %sign3A_3 : i32
    %sign3A_5 = arith.extui %sign3A_4 : i1 to i32
    %sign3A_6 = arith.subi %sign3A_2, %sign3A_5 : i32
    %sign3A_7 = arith.constant 0 : i32
    %sign3A_8 = arith.cmpi sgt, %jit3A, %sign3A_7 : i32
    %sign3A_9 = arith.extui %sign3A_8 : i1 to i32
    %sign3A_10 = arith.constant 0 : i32
    %sign3A_11 = arith.cmpi slt, %jit3A, %sign3A_10 : i32
    %sign3A_12 = arith.extui %sign3A_11 : i1 to i32
    %sign3A_13 = arith.subi %sign3A_9, %sign3A_12 : i32
    %ne3A = arith.cmpi ne, %sign3A_6, %sign3A_13 : i32
    %rem3A = arith.remsi %arg1, %jit3A : i32
    %ne3A_14 = arith.constant 0 : i32
    %ne3A_15 = arith.cmpi ne, %rem3A, %ne3A_14 : i32
    %and3A = arith.andi %ne3A, %ne3A_15 : i1
    %sub3A = arith.constant 1 : i32
    %sub3A_16 = arith.subi %div3A, %sub3A : i32
    %select_n3A = arith.select %and3A, %sub3A_16, %div3A : i32
    %add3A = arith.addi %mul3A_0, %select_n3A : i32
    %jit3A_17 = arith.constant 8 : i32
    %eq3A = arith.constant 0 : i32
    %eq3A_18 = arith.cmpi eq, %jit3A_17, %eq3A : i32
    %jit3A_19 = arith.constant 1 : i32
    %select_n3A_20 = arith.select %eq3A_18, %jit3A_19, %jit3A_17 : i32
    %rem3A_21 = arith.remsi %arg1, %select_n3A_20 : i32
    %ne3A_22 = arith.constant 0 : i32
    %ne3A_23 = arith.cmpi ne, %rem3A_21, %ne3A_22 : i32
    %lt3A = arith.constant 0 : i32
    %lt3A_24 = arith.cmpi slt, %rem3A_21, %lt3A : i32
    %lt3A_25 = arith.constant 0 : i32
    %lt3A_26 = arith.cmpi slt, %select_n3A_20, %lt3A_25 : i32
    %ne3A_27 = arith.xori %lt3A_24, %lt3A_26 : i1
    %and3A_28 = arith.andi %ne3A_27, %ne3A_23 : i1
    %add3A_29 = arith.addi %rem3A_21, %select_n3A_20 : i32
    %select_n3A_30 = arith.select %and3A_28, %add3A_29, %rem3A_21 : i32
    %mul3A_31 = arith.constant 5632 : i32
    %mul3A_32 = arith.muli %select_n3A_30, %mul3A_31 : i32
    %iota3A = tpu.iota {dimensions = array<i32: 0>} : vector<16xi32>
    %broadcast_in_dim3A = arith.constant -1.000000e+00 : f32
    %broadcast_in_dim3A_33 = vector.broadcast %broadcast_in_dim3A : f32 to vector<16xf32>
    %broadcast_in_dim3A_34 = arith.constant 0 : i32
    %broadcast_in_dim3A_35 = vector.broadcast %broadcast_in_dim3A_34 : i32 to vector<16xi32>
    %add3A_36 = arith.constant 0 : i32
    %add3A_37 = arith.addi %mul3A_32, %add3A_36 : i32
    %min3A = arith.constant 44688 : i32
    %min3A_38 = arith.minsi %add3A_37, %min3A : i32
    %mul3A_39 = arith.constant 128 : i32
    %mul3A_40 = arith.muli %add3A, %mul3A_39 : i32
    %dma_start3A = tpu.memref_slice %arg2[%min3A_38, %mul3A_40] : memref<100000x512xf32, #tpu.memory_space<hbm>> -> memref<368x128xf32, #tpu.memory_space<hbm>>
    %dma_start3A_41 = tpu.memref_slice %arg2[%min3A_38, %mul3A_40] : memref<100000x512xf32, #tpu.memory_space<hbm>> -> memref<368x128xf32, #tpu.memory_space<hbm>>
    tpu.enqueue_dma source(%dma_start3A_41 : memref<368x128xf32, #tpu.memory_space<hbm>>) target(%arg5 : memref<368x128xf32, #tpu.memory_space<vmem>>) target_semaphore(%arg9 : memref<!tpu.dma_semaphore, #tpu.memory_space<semaphore_mem>>)
    %scan3A = arith.constant 0 : i32
    %scan3A_42 = arith.constant 8 : i32
    %scan3A_43 = arith.addi %scan3A, %scan3A_42 : i32
    %scan3A_44 = arith.constant 1 : i32
    %scan3A_45:16 = scf.for %scan3A_122 = %scan3A to %scan3A_43 step %scan3A_44 iter_args(%scan3A_123 = %broadcast_in_dim3A_33, %scan3A_124 = %broadcast_in_dim3A_33, %scan3A_125 = %broadcast_in_dim3A_33, %scan3A_126 = %broadcast_in_dim3A_33, %scan3A_127 = %broadcast_in_dim3A_33, %scan3A_128 = %broadcast_in_dim3A_33, %scan3A_129 = %broadcast_in_dim3A_33, %scan3A_130 = %broadcast_in_dim3A_33, %scan3A_131 = %broadcast_in_dim3A_35, %scan3A_132 = %broadcast_in_dim3A_35, %scan3A_133 = %broadcast_in_dim3A_35, %scan3A_134 = %broadcast_in_dim3A_35, %scan3A_135 = %broadcast_in_dim3A_35, %scan3A_136 = %broadcast_in_dim3A_35, %scan3A_137 = %broadcast_in_dim3A_35, %scan3A_138 = %broadcast_in_dim3A_35) -> (vector<16xf32>, vector<16xf32>, vector<16xf32>, vector<16xf32>, vector<16xf32>, vector<16xf32>, vector<16xf32>, vector<16xf32>, vector<16xi32>, vector<16xi32>, vector<16xi32>, vector<16xi32>, vector<16xi32>, vector<16xi32>, vector<16xi32>, vector<16xi32>)  : i32 {
      %mul3A_139 = arith.constant 2 : i32
      %mul3A_140 = arith.muli %mul3A_139, %scan3A_122 : i32
      %add3A_141 = arith.constant 1 : i32
      %add3A_142 = arith.addi %mul3A_140, %add3A_141 : i32
      %mul3A_143 = arith.constant 368 : i32
      %mul3A_144 = arith.muli %add3A_142, %mul3A_143 : i32
      %add3A_145 = arith.addi %mul3A_32, %mul3A_144 : i32
      %min3A_146 = arith.constant 44688 : i32
      %min3A_147 = arith.minsi %add3A_145, %min3A_146 : i32
      %mul3A_148 = arith.constant 128 : i32
      %mul3A_149 = arith.muli %add3A, %mul3A_148 : i32
      %dma_start3A_150 = tpu.memref_slice %arg2[%min3A_147, %mul3A_149] : memref<100000x512xf32, #tpu.memory_space<hbm>> -> memref<368x128xf32, #tpu.memory_space<hbm>>
      %dma_start3A_151 = tpu.memref_slice %arg2[%min3A_147, %mul3A_149] : memref<100000x512xf32, #tpu.memory_space<hbm>> -> memref<368x128xf32, #tpu.memory_space<hbm>>
      tpu.enqueue_dma source(%dma_start3A_151 : memref<368x128xf32, #tpu.memory_space<hbm>>) target(%arg6 : memref<368x128xf32, #tpu.memory_space<vmem>>) target_semaphore(%arg10 : memref<!tpu.dma_semaphore, #tpu.memory_space<semaphore_mem>>)
      %mul3A_152 = arith.constant 368 : i32
      %mul3A_153 = arith.muli %mul3A_140, %mul3A_152 : i32
      %add3A_154 = arith.addi %mul3A_32, %mul3A_153 : i32
      %min3A_155 = arith.constant 44688 : i32
      %min3A_156 = arith.minsi %add3A_154, %min3A_155 : i32
      %mul3A_157 = arith.constant 128 : i32
      %mul3A_158 = arith.muli %add3A, %mul3A_157 : i32
      %dma_wait3A_159 = tpu.memref_slice %arg2[%min3A_156, %mul3A_158] : memref<100000x512xf32, #tpu.memory_space<hbm>> -> memref<368x128xf32, #tpu.memory_space<hbm>>
      %dma_wait3A_160 = tpu.memref_slice %arg2[%min3A_156, %mul3A_158] : memref<100000x512xf32, #tpu.memory_space<hbm>> -> memref<368x128xf32, #tpu.memory_space<hbm>>
      tpu.wait_dma2 semaphore(%arg9 : memref<!tpu.dma_semaphore, #tpu.memory_space<semaphore_mem>>) src(%dma_wait3A_160 : memref<368x128xf32, #tpu.memory_space<hbm>>) dst(%arg5 : memref<368x128xf32, #tpu.memory_space<vmem>>)
      %mul3A_161 = arith.constant 368 : i32
      %mul3A_162 = arith.muli %mul3A_140, %mul3A_161 : i32
      %add3A_163 = arith.addi %mul3A_32, %mul3A_162 : i32
      %min3A_164 = arith.constant 44688 : i32
      %min3A_165 = arith.minsi %add3A_163, %min3A_164 : i32
      %scan3A_166 = arith.constant 0 : i32
      %scan3A_167 = arith.constant 368 : i32
      %scan3A_168 = arith.addi %scan3A_166, %scan3A_167 : i32
      %scan3A_169 = arith.constant 1 : i32
      %scan3A_170:16 = scf.for %scan3A_207 = %scan3A_166 to %scan3A_168 step %scan3A_169 iter_args(%scan3A_208 = %scan3A_123, %scan3A_209 = %scan3A_124, %scan3A_210 = %scan3A_125, %scan3A_211 = %scan3A_126, %scan3A_212 = %scan3A_127, %scan3A_213 = %scan3A_128, %scan3A_214 = %scan3A_129, %scan3A_215 = %scan3A_130, %scan3A_216 = %scan3A_131, %scan3A_217 = %scan3A_132, %scan3A_218 = %scan3A_133, %scan3A_219 = %scan3A_134, %scan3A_220 = %scan3A_135, %scan3A_221 = %scan3A_136, %scan3A_222 = %scan3A_137, %scan3A_223 = %scan3A_138) -> (vector<16xf32>, vector<16xf32>, vector<16xf32>, vector<16xf32>, vector<16xf32>, vector<16xf32>, vector<16xf32>, vector<16xf32>, vector<16xi32>, vector<16xi32>, vector<16xi32>, vector<16xi32>, vector<16xi32>, vector<16xi32>, vector<16xi32>, vector<16xi32>)  : i32 {
        %add3A_224 = arith.addi %min3A_165, %scan3A_207 : i32
        %get3A = arith.index_cast %scan3A_207 : i32 to index
        %get3A_225 = arith.constant 0 : index
        %get3A_226 = tpu.vector_load %arg5[%get3A, %get3A_225] {strides = array<i32>} : memref<368x128xf32, #tpu.memory_space<vmem>>, vector<1x16xf32>,
        %get3A_227 = vector.shape_cast %get3A_226 : vector<1x16xf32> to vector<16xf32>
        %gt3A = arith.cmpf ogt, %get3A_227, %scan3A_208 : vector<16xf32>
        %select_n3A_228 = arith.select %gt3A, %get3A_227, %scan3A_208 : vector<16xi1>, vector<16xf32>
        %broadcast_in_dim3A_229 = vector.broadcast %add3A_224 : i32 to vector<16xi32>
        %select_n3A_230 = arith.select %gt3A, %broadcast_in_dim3A_229, %scan3A_216 : vector<16xi1>, vector<16xi32>
        %get3A_231 = arith.index_cast %scan3A_207 : i32 to index
        %get3A_232 = arith.constant 16 : index
        %get3A_233 = tpu.vector_load %arg5[%get3A_231, %get3A_232] {strides = array<i32>} : memref<368x128xf32, #tpu.memory_space<vmem>>, vector<1x16xf32>,
        %get3A_234 = vector.shape_cast %get3A_233 : vector<1x16xf32> to vector<16xf32>
        %gt3A_235 = arith.cmpf ogt, %get3A_234, %scan3A_209 : vector<16xf32>
        %select_n3A_236 = arith.select %gt3A_235, %get3A_234, %scan3A_209 : vector<16xi1>, vector<16xf32>
        %broadcast_in_dim3A_237 = vector.broadcast %add3A_224 : i32 to vector<16xi32>
        %select_n3A_238 = arith.select %gt3A_235, %broadcast_in_dim3A_237, %scan3A_217 : vector<16xi1>, vector<16xi32>
        %get3A_239 = arith.index_cast %scan3A_207 : i32 to index
        %get3A_240 = arith.constant 32 : index
        %get3A_241 = tpu.vector_load %arg5[%get3A_239, %get3A_240] {strides = array<i32>} : memref<368x128xf32, #tpu.memory_space<vmem>>, vector<1x16xf32>,
        %get3A_242 = vector.shape_cast %get3A_241 : vector<1x16xf32> to vector<16xf32>
        %gt3A_243 = arith.cmpf ogt, %get3A_242, %scan3A_210 : vector<16xf32>
        %select_n3A_244 = arith.select %gt3A_243, %get3A_242, %scan3A_210 : vector<16xi1>, vector<16xf32>
        %broadcast_in_dim3A_245 = vector.broadcast %add3A_224 : i32 to vector<16xi32>
        %select_n3A_246 = arith.select %gt3A_243, %broadcast_in_dim3A_245, %scan3A_218 : vector<16xi1>, vector<16xi32>
        %get3A_247 = arith.index_cast %scan3A_207 : i32 to index
        %get3A_248 = arith.constant 48 : index
        %get3A_249 = tpu.vector_load %arg5[%get3A_247, %get3A_248] {strides = array<i32>} : memref<368x128xf32, #tpu.memory_space<vmem>>, vector<1x16xf32>,
        %get3A_250 = vector.shape_cast %get3A_249 : vector<1x16xf32> to vector<16xf32>
        %gt3A_251 = arith.cmpf ogt, %get3A_250, %scan3A_211 : vector<16xf32>
        %select_n3A_252 = arith.select %gt3A_251, %get3A_250, %scan3A_211 : vector<16xi1>, vector<16xf32>
        %broadcast_in_dim3A_253 = vector.broadcast %add3A_224 : i32 to vector<16xi32>
        %select_n3A_254 = arith.select %gt3A_251, %broadcast_in_dim3A_253, %scan3A_219 : vector<16xi1>, vector<16xi32>
        %get3A_255 = arith.index_cast %scan3A_207 : i32 to index
        %get3A_256 = arith.constant 64 : index
        %get3A_257 = tpu.vector_load %arg5[%get3A_255, %get3A_256] {strides = array<i32>} : memref<368x128xf32, #tpu.memory_space<vmem>>, vector<1x16xf32>,
        %get3A_258 = vector.shape_cast %get3A_257 : vector<1x16xf32> to vector<16xf32>
        %gt3A_259 = arith.cmpf ogt, %get3A_258, %scan3A_212 : vector<16xf32>
        %select_n3A_260 = arith.select %gt3A_259, %get3A_258, %scan3A_212 : vector<16xi1>, vector<16xf32>
        %broadcast_in_dim3A_261 = vector.broadcast %add3A_224 : i32 to vector<16xi32>
        %select_n3A_262 = arith.select %gt3A_259, %broadcast_in_dim3A_261, %scan3A_220 : vector<16xi1>, vector<16xi32>
        %get3A_263 = arith.index_cast %scan3A_207 : i32 to index
        %get3A_264 = arith.constant 80 : index
        %get3A_265 = tpu.vector_load %arg5[%get3A_263, %get3A_264] {strides = array<i32>} : memref<368x128xf32, #tpu.memory_space<vmem>>, vector<1x16xf32>,
        %get3A_266 = vector.shape_cast %get3A_265 : vector<1x16xf32> to vector<16xf32>
        %gt3A_267 = arith.cmpf ogt, %get3A_266, %scan3A_213 : vector<16xf32>
        %select_n3A_268 = arith.select %gt3A_267, %get3A_266, %scan3A_213 : vector<16xi1>, vector<16xf32>
        %broadcast_in_dim3A_269 = vector.broadcast %add3A_224 : i32 to vector<16xi32>
        %select_n3A_270 = arith.select %gt3A_267, %broadcast_in_dim3A_269, %scan3A_221 : vector<16xi1>, vector<16xi32>
        %get3A_271 = arith.index_cast %scan3A_207 : i32 to index
        %get3A_272 = arith.constant 96 : index
        %get3A_273 = tpu.vector_load %arg5[%get3A_271, %get3A_272] {strides = array<i32>} : memref<368x128xf32, #tpu.memory_space<vmem>>, vector<1x16xf32>,
        %get3A_274 = vector.shape_cast %get3A_273 : vector<1x16xf32> to vector<16xf32>
        %gt3A_275 = arith.cmpf ogt, %get3A_274, %scan3A_214 : vector<16xf32>
        %select_n3A_276 = arith.select %gt3A_275, %get3A_274, %scan3A_214 : vector<16xi1>, vector<16xf32>
        %broadcast_in_dim3A_277 = vector.broadcast %add3A_224 : i32 to vector<16xi32>
        %select_n3A_278 = arith.select %gt3A_275, %broadcast_in_dim3A_277, %scan3A_222 : vector<16xi1>, vector<16xi32>
        %get3A_279 = arith.index_cast %scan3A_207 : i32 to index
        %get3A_280 = arith.constant 112 : index
        %get3A_281 = tpu.vector_load %arg5[%get3A_279, %get3A_280] {strides = array<i32>} : memref<368x128xf32, #tpu.memory_space<vmem>>, vector<1x16xf32>,
        %get3A_282 = vector.shape_cast %get3A_281 : vector<1x16xf32> to vector<16xf32>
        %gt3A_283 = arith.cmpf ogt, %get3A_282, %scan3A_215 : vector<16xf32>
        %select_n3A_284 = arith.select %gt3A_283, %get3A_282, %scan3A_215 : vector<16xi1>, vector<16xf32>
        %broadcast_in_dim3A_285 = vector.broadcast %add3A_224 : i32 to vector<16xi32>
        %select_n3A_286 = arith.select %gt3A_283, %broadcast_in_dim3A_285, %scan3A_223 : vector<16xi1>, vector<16xi32>
        scf.yield %select_n3A_228, %select_n3A_236, %select_n3A_244, %select_n3A_252, %select_n3A_260, %select_n3A_268, %select_n3A_276, %select_n3A_284, %select_n3A_230, %select_n3A_238, %select_n3A_246, %select_n3A_254, %select_n3A_262, %select_n3A_270, %select_n3A_278, %select_n3A_286 : vector<16xf32>, vector<16xf32>, vector<16xf32>, vector<16xf32>, vector<16xf32>, vector<16xf32>, vector<16xf32>, vector<16xf32>, vector<16xi32>, vector<16xi32>, vector<16xi32>, vector<16xi32>, vector<16xi32>, vector<16xi32>, vector<16xi32>, vector<16xi32>
      }
      %scan3A_171 = arith.constant 368 : i32
      %mul3A_172 = arith.constant 2 : i32
      %mul3A_173 = arith.muli %mul3A_172, %scan3A_122 : i32
      %add3A_174 = arith.constant 1 : i32
      %add3A_175 = arith.addi %mul3A_173, %add3A_174 : i32
      %add3A_176 = arith.constant 1 : i32
      %add3A_177 = arith.addi %add3A_175, %add3A_176 : i32
      %mul3A_178 = arith.constant 368 : i32
      %mul3A_179 = arith.muli %add3A_177, %mul3A_178 : i32
      %add3A_180 = arith.addi %mul3A_32, %mul3A_179 : i32
      %min3A_181 = arith.constant 44688 : i32
      %min3A_182 = arith.minsi %add3A_180, %min3A_181 : i32
      %mul3A_183 = arith.constant 128 : i32
      %mul3A_184 = arith.muli %add3A, %mul3A_183 : i32
      %dma_start3A_185 = tpu.memref_slice %arg2[%min3A_182, %mul3A_184] : memref<100000x512xf32, #tpu.memory_space<hbm>> -> memref<368x128xf32, #tpu.memory_space<hbm>>
      %dma_start3A_186 = tpu.memref_slice %arg2[%min3A_182, %mul3A_184] : memref<100000x512xf32, #tpu.memory_space<hbm>> -> memref<368x128xf32, #tpu.memory_space<hbm>>
      tpu.enqueue_dma source(%dma_start3A_186 : memref<368x128xf32, #tpu.memory_space<hbm>>) target(%arg5 : memref<368x128xf32, #tpu.memory_space<vmem>>) target_semaphore(%arg9 : memref<!tpu.dma_semaphore, #tpu.memory_space<semaphore_mem>>)
      %mul3A_187 = arith.constant 368 : i32
      %mul3A_188 = arith.muli %add3A_175, %mul3A_187 : i32
      %add3A_189 = arith.addi %mul3A_32, %mul3A_188 : i32
      %min3A_190 = arith.constant 44688 : i32
      %min3A_191 = arith.minsi %add3A_189, %min3A_190 : i32
      %mul3A_192 = arith.constant 128 : i32
      %mul3A_193 = arith.muli %add3A, %mul3A_192 : i32
      %dma_wait3A_194 = tpu.memref_slice %arg2[%min3A_191, %mul3A_193] : memref<100000x512xf32, #tpu.memory_space<hbm>> -> memref<368x128xf32, #tpu.memory_space<hbm>>
      %dma_wait3A_195 = tpu.memref_slice %arg2[%min3A_191, %mul3A_193] : memref<100000x512xf32, #tpu.memory_space<hbm>> -> memref<368x128xf32, #tpu.memory_space<hbm>>
      tpu.wait_dma2 semaphore(%arg10 : memref<!tpu.dma_semaphore, #tpu.memory_space<semaphore_mem>>) src(%dma_wait3A_195 : memref<368x128xf32, #tpu.memory_space<hbm>>) dst(%arg6 : memref<368x128xf32, #tpu.memory_space<vmem>>)
      %mul3A_196 = arith.constant 368 : i32
      %mul3A_197 = arith.muli %add3A_175, %mul3A_196 : i32
      %add3A_198 = arith.addi %mul3A_32, %mul3A_197 : i32
      %min3A_199 = arith.constant 44688 : i32
      %min3A_200 = arith.minsi %add3A_198, %min3A_199 : i32
      %scan3A_201 = arith.constant 0 : i32
      %scan3A_202 = arith.constant 368 : i32
      %scan3A_203 = arith.addi %scan3A_201, %scan3A_202 : i32
      %scan3A_204 = arith.constant 1 : i32
      %scan3A_205:16 = scf.for %scan3A_207 = %scan3A_201 to %scan3A_203 step %scan3A_204 iter_args(%scan3A_208 = %scan3A_170#0, %scan3A_209 = %scan3A_170#1, %scan3A_210 = %scan3A_170#2, %scan3A_211 = %scan3A_170#3, %scan3A_212 = %scan3A_170#4, %scan3A_213 = %scan3A_170#5, %scan3A_214 = %scan3A_170#6, %scan3A_215 = %scan3A_170#7, %scan3A_216 = %scan3A_170#8, %scan3A_217 = %scan3A_170#9, %scan3A_218 = %scan3A_170#10, %scan3A_219 = %scan3A_170#11, %scan3A_220 = %scan3A_170#12, %scan3A_221 = %scan3A_170#13, %scan3A_222 = %scan3A_170#14, %scan3A_223 = %scan3A_170#15) -> (vector<16xf32>, vector<16xf32>, vector<16xf32>, vector<16xf32>, vector<16xf32>, vector<16xf32>, vector<16xf32>, vector<16xf32>, vector<16xi32>, vector<16xi32>, vector<16xi32>, vector<16xi32>, vector<16xi32>, vector<16xi32>, vector<16xi32>, vector<16xi32>)  : i32 {
        %add3A_224 = arith.addi %min3A_200, %scan3A_207 : i32
        %get3A = arith.index_cast %scan3A_207 : i32 to index
        %get3A_225 = arith.constant 0 : index
        %get3A_226 = tpu.vector_load %arg6[%get3A, %get3A_225] {strides = array<i32>} : memref<368x128xf32, #tpu.memory_space<vmem>>, vector<1x16xf32>,
        %get3A_227 = vector.shape_cast %get3A_226 : vector<1x16xf32> to vector<16xf32>
        %gt3A = arith.cmpf ogt, %get3A_227, %scan3A_208 : vector<16xf32>
        %select_n3A_228 = arith.select %gt3A, %get3A_227, %scan3A_208 : vector<16xi1>, vector<16xf32>
        %broadcast_in_dim3A_229 = vector.broadcast %add3A_224 : i32 to vector<16xi32>
        %select_n3A_230 = arith.select %gt3A, %broadcast_in_dim3A_229, %scan3A_216 : vector<16xi1>, vector<16xi32>
        %get3A_231 = arith.index_cast %scan3A_207 : i32 to index
        %get3A_232 = arith.constant 16 : index
        %get3A_233 = tpu.vector_load %arg6[%get3A_231, %get3A_232] {strides = array<i32>} : memref<368x128xf32, #tpu.memory_space<vmem>>, vector<1x16xf32>,
        %get3A_234 = vector.shape_cast %get3A_233 : vector<1x16xf32> to vector<16xf32>
        %gt3A_235 = arith.cmpf ogt, %get3A_234, %scan3A_209 : vector<16xf32>
        %select_n3A_236 = arith.select %gt3A_235, %get3A_234, %scan3A_209 : vector<16xi1>, vector<16xf32>
        %broadcast_in_dim3A_237 = vector.broadcast %add3A_224 : i32 to vector<16xi32>
        %select_n3A_238 = arith.select %gt3A_235, %broadcast_in_dim3A_237, %scan3A_217 : vector<16xi1>, vector<16xi32>
        %get3A_239 = arith.index_cast %scan3A_207 : i32 to index
        %get3A_240 = arith.constant 32 : index
        %get3A_241 = tpu.vector_load %arg6[%get3A_239, %get3A_240] {strides = array<i32>} : memref<368x128xf32, #tpu.memory_space<vmem>>, vector<1x16xf32>,
        %get3A_242 = vector.shape_cast %get3A_241 : vector<1x16xf32> to vector<16xf32>
        %gt3A_243 = arith.cmpf ogt, %get3A_242, %scan3A_210 : vector<16xf32>
        %select_n3A_244 = arith.select %gt3A_243, %get3A_242, %scan3A_210 : vector<16xi1>, vector<16xf32>
        %broadcast_in_dim3A_245 = vector.broadcast %add3A_224 : i32 to vector<16xi32>
        %select_n3A_246 = arith.select %gt3A_243, %broadcast_in_dim3A_245, %scan3A_218 : vector<16xi1>, vector<16xi32>
        %get3A_247 = arith.index_cast %scan3A_207 : i32 to index
        %get3A_248 = arith.constant 48 : index
        %get3A_249 = tpu.vector_load %arg6[%get3A_247, %get3A_248] {strides = array<i32>} : memref<368x128xf32, #tpu.memory_space<vmem>>, vector<1x16xf32>,
        %get3A_250 = vector.shape_cast %get3A_249 : vector<1x16xf32> to vector<16xf32>
        %gt3A_251 = arith.cmpf ogt, %get3A_250, %scan3A_211 : vector<16xf32>
        %select_n3A_252 = arith.select %gt3A_251, %get3A_250, %scan3A_211 : vector<16xi1>, vector<16xf32>
        %broadcast_in_dim3A_253 = vector.broadcast %add3A_224 : i32 to vector<16xi32>
        %select_n3A_254 = arith.select %gt3A_251, %broadcast_in_dim3A_253, %scan3A_219 : vector<16xi1>, vector<16xi32>
        %get3A_255 = arith.index_cast %scan3A_207 : i32 to index
        %get3A_256 = arith.constant 64 : index
        %get3A_257 = tpu.vector_load %arg6[%get3A_255, %get3A_256] {strides = array<i32>} : memref<368x128xf32, #tpu.memory_space<vmem>>, vector<1x16xf32>,
        %get3A_258 = vector.shape_cast %get3A_257 : vector<1x16xf32> to vector<16xf32>
        %gt3A_259 = arith.cmpf ogt, %get3A_258, %scan3A_212 : vector<16xf32>
        %select_n3A_260 = arith.select %gt3A_259, %get3A_258, %scan3A_212 : vector<16xi1>, vector<16xf32>
        %broadcast_in_dim3A_261 = vector.broadcast %add3A_224 : i32 to vector<16xi32>
        %select_n3A_262 = arith.select %gt3A_259, %broadcast_in_dim3A_261, %scan3A_220 : vector<16xi1>, vector<16xi32>
        %get3A_263 = arith.index_cast %scan3A_207 : i32 to index
        %get3A_264 = arith.constant 80 : index
        %get3A_265 = tpu.vector_load %arg6[%get3A_263, %get3A_264] {strides = array<i32>} : memref<368x128xf32, #tpu.memory_space<vmem>>, vector<1x16xf32>,
        %get3A_266 = vector.shape_cast %get3A_265 : vector<1x16xf32> to vector<16xf32>
        %gt3A_267 = arith.cmpf ogt, %get3A_266, %scan3A_213 : vector<16xf32>
        %select_n3A_268 = arith.select %gt3A_267, %get3A_266, %scan3A_213 : vector<16xi1>, vector<16xf32>
        %broadcast_in_dim3A_269 = vector.broadcast %add3A_224 : i32 to vector<16xi32>
        %select_n3A_270 = arith.select %gt3A_267, %broadcast_in_dim3A_269, %scan3A_221 : vector<16xi1>, vector<16xi32>
        %get3A_271 = arith.index_cast %scan3A_207 : i32 to index
        %get3A_272 = arith.constant 96 : index
        %get3A_273 = tpu.vector_load %arg6[%get3A_271, %get3A_272] {strides = array<i32>} : memref<368x128xf32, #tpu.memory_space<vmem>>, vector<1x16xf32>,
        %get3A_274 = vector.shape_cast %get3A_273 : vector<1x16xf32> to vector<16xf32>
        %gt3A_275 = arith.cmpf ogt, %get3A_274, %scan3A_214 : vector<16xf32>
        %select_n3A_276 = arith.select %gt3A_275, %get3A_274, %scan3A_214 : vector<16xi1>, vector<16xf32>
        %broadcast_in_dim3A_277 = vector.broadcast %add3A_224 : i32 to vector<16xi32>
        %select_n3A_278 = arith.select %gt3A_275, %broadcast_in_dim3A_277, %scan3A_222 : vector<16xi1>, vector<16xi32>
        %get3A_279 = arith.index_cast %scan3A_207 : i32 to index
        %get3A_280 = arith.constant 112 : index
        %get3A_281 = tpu.vector_load %arg6[%get3A_279, %get3A_280] {strides = array<i32>} : memref<368x128xf32, #tpu.memory_space<vmem>>, vector<1x16xf32>,
        %get3A_282 = vector.shape_cast %get3A_281 : vector<1x16xf32> to vector<16xf32>
        %gt3A_283 = arith.cmpf ogt, %get3A_282, %scan3A_215 : vector<16xf32>
        %select_n3A_284 = arith.select %gt3A_283, %get3A_282, %scan3A_215 : vector<16xi1>, vector<16xf32>
        %broadcast_in_dim3A_285 = vector.broadcast %add3A_224 : i32 to vector<16xi32>
        %select_n3A_286 = arith.select %gt3A_283, %broadcast_in_dim3A_285, %scan3A_223 : vector<16xi1>, vector<16xi32>
        scf.yield %select_n3A_228, %select_n3A_236, %select_n3A_244, %select_n3A_252, %select_n3A_260, %select_n3A_268, %select_n3A_276, %select_n3A_284, %select_n3A_230, %select_n3A_238, %select_n3A_246, %select_n3A_254, %select_n3A_262, %select_n3A_270, %select_n3A_278, %select_n3A_286 : vector<16xf32>, vector<16xf32>, vector<16xf32>, vector<16xf32>, vector<16xf32>, vector<16xf32>, vector<16xf32>, vector<16xf32>, vector<16xi32>, vector<16xi32>, vector<16xi32>, vector<16xi32>, vector<16xi32>, vector<16xi32>, vector<16xi32>, vector<16xi32>
      }
      %scan3A_206 = arith.constant 368 : i32
      scf.yield %scan3A_205#0, %scan3A_205#1, %scan3A_205#2, %scan3A_205#3, %scan3A_205#4, %scan3A_205#5, %scan3A_205#6, %scan3A_205#7, %scan3A_205#8, %scan3A_205#9, %scan3A_205#10, %scan3A_205#11, %scan3A_205#12, %scan3A_205#13, %scan3A_205#14, %scan3A_205#15 : vector<16xf32>, vector<16xf32>, vector<16xf32>, vector<16xf32>, vector<16xf32>, vector<16xf32>, vector<16xf32>, vector<16xf32>, vector<16xi32>, vector<16xi32>, vector<16xi32>, vector<16xi32>, vector<16xi32>, vector<16xi32>, vector<16xi32>, vector<16xi32>
    }
    %scan3A_46 = arith.constant 8 : i32
    %add3A_47 = arith.constant 5888 : i32
    %add3A_48 = arith.addi %mul3A_32, %add3A_47 : i32
    %min3A_49 = arith.constant 44688 : i32
    %min3A_50 = arith.minsi %add3A_48, %min3A_49 : i32
    %mul3A_51 = arith.constant 128 : i32
    %mul3A_52 = arith.muli %add3A, %mul3A_51 : i32
    %dma_wait3A = tpu.memref_slice %arg2[%min3A_50, %mul3A_52] : memref<100000x512xf32, #tpu.memory_space<hbm>> -> memref<368x128xf32, #tpu.memory_space<hbm>>
    %dma_wait3A_53 = tpu.memref_slice %arg2[%min3A_50, %mul3A_52] : memref<100000x512xf32, #tpu.memory_space<hbm>> -> memref<368x128xf32, #tpu.memory_space<hbm>>
    tpu.wait_dma2 semaphore(%arg9 : memref<!tpu.dma_semaphore, #tpu.memory_space<semaphore_mem>>) src(%dma_wait3A_53 : memref<368x128xf32, #tpu.memory_space<hbm>>) dst(%arg5 : memref<368x128xf32, #tpu.memory_space<vmem>>)
    %swap3A = arith.constant 0 : index
    %swap3A_54 = tpu.vector_load %arg7[%swap3A] {strides = array<i32>} : memref<128xf32, #tpu.memory_space<vmem>>, vector<16xf32>,
    %swap3A_55 = vector.shape_cast %swap3A_54 : vector<16xf32> to vector<16xf32>
    %swap3A_56 = vector.shape_cast %scan3A_45#0 : vector<16xf32> to vector<16xf32>
    tpu.vector_store %arg7[%swap3A], %swap3A_56 {strides = array<i32>} : memref<128xf32, #tpu.memory_space<vmem>>, vector<16xf32>,
    %swap3A_57 = arith.constant 0 : index
    %swap3A_58 = tpu.vector_load %arg8[%swap3A_57] {strides = array<i32>} : memref<128xi32, #tpu.memory_space<vmem>>, vector<16xi32>,
    %swap3A_59 = vector.shape_cast %swap3A_58 : vector<16xi32> to vector<16xi32>
    %swap3A_60 = vector.shape_cast %scan3A_45#8 : vector<16xi32> to vector<16xi32>
    tpu.vector_store %arg8[%swap3A_57], %swap3A_60 {strides = array<i32>} : memref<128xi32, #tpu.memory_space<vmem>>, vector<16xi32>,
    %swap3A_61 = arith.constant 16 : index
    %swap3A_62 = tpu.vector_load %arg7[%swap3A_61] {strides = array<i32>} : memref<128xf32, #tpu.memory_space<vmem>>, vector<16xf32>,
    %swap3A_63 = vector.shape_cast %swap3A_62 : vector<16xf32> to vector<16xf32>
    %swap3A_64 = vector.shape_cast %scan3A_45#1 : vector<16xf32> to vector<16xf32>
    tpu.vector_store %arg7[%swap3A_61], %swap3A_64 {strides = array<i32>} : memref<128xf32, #tpu.memory_space<vmem>>, vector<16xf32>,
    %swap3A_65 = arith.constant 16 : index
    %swap3A_66 = tpu.vector_load %arg8[%swap3A_65] {strides = array<i32>} : memref<128xi32, #tpu.memory_space<vmem>>, vector<16xi32>,
    %swap3A_67 = vector.shape_cast %swap3A_66 : vector<16xi32> to vector<16xi32>
    %swap3A_68 = vector.shape_cast %scan3A_45#9 : vector<16xi32> to vector<16xi32>
    tpu.vector_store %arg8[%swap3A_65], %swap3A_68 {strides = array<i32>} : memref<128xi32, #tpu.memory_space<vmem>>, vector<16xi32>,
    %swap3A_69 = arith.constant 32 : index
    %swap3A_70 = tpu.vector_load %arg7[%swap3A_69] {strides = array<i32>} : memref<128xf32, #tpu.memory_space<vmem>>, vector<16xf32>,
    %swap3A_71 = vector.shape_cast %swap3A_70 : vector<16xf32> to vector<16xf32>
    %swap3A_72 = vector.shape_cast %scan3A_45#2 : vector<16xf32> to vector<16xf32>
    tpu.vector_store %arg7[%swap3A_69], %swap3A_72 {strides = array<i32>} : memref<128xf32, #tpu.memory_space<vmem>>, vector<16xf32>,
    %swap3A_73 = arith.constant 32 : index
    %swap3A_74 = tpu.vector_load %arg8[%swap3A_73] {strides = array<i32>} : memref<128xi32, #tpu.memory_space<vmem>>, vector<16xi32>,
    %swap3A_75 = vector.shape_cast %swap3A_74 : vector<16xi32> to vector<16xi32>
    %swap3A_76 = vector.shape_cast %scan3A_45#10 : vector<16xi32> to vector<16xi32>
    tpu.vector_store %arg8[%swap3A_73], %swap3A_76 {strides = array<i32>} : memref<128xi32, #tpu.memory_space<vmem>>, vector<16xi32>,
    %swap3A_77 = arith.constant 48 : index
    %swap3A_78 = tpu.vector_load %arg7[%swap3A_77] {strides = array<i32>} : memref<128xf32, #tpu.memory_space<vmem>>, vector<16xf32>,
    %swap3A_79 = vector.shape_cast %swap3A_78 : vector<16xf32> to vector<16xf32>
    %swap3A_80 = vector.shape_cast %scan3A_45#3 : vector<16xf32> to vector<16xf32>
    tpu.vector_store %arg7[%swap3A_77], %swap3A_80 {strides = array<i32>} : memref<128xf32, #tpu.memory_space<vmem>>, vector<16xf32>,
    %swap3A_81 = arith.constant 48 : index
    %swap3A_82 = tpu.vector_load %arg8[%swap3A_81] {strides = array<i32>} : memref<128xi32, #tpu.memory_space<vmem>>, vector<16xi32>,
    %swap3A_83 = vector.shape_cast %swap3A_82 : vector<16xi32> to vector<16xi32>
    %swap3A_84 = vector.shape_cast %scan3A_45#11 : vector<16xi32> to vector<16xi32>
    tpu.vector_store %arg8[%swap3A_81], %swap3A_84 {strides = array<i32>} : memref<128xi32, #tpu.memory_space<vmem>>, vector<16xi32>,
    %swap3A_85 = arith.constant 64 : index
    %swap3A_86 = tpu.vector_load %arg7[%swap3A_85] {strides = array<i32>} : memref<128xf32, #tpu.memory_space<vmem>>, vector<16xf32>,
    %swap3A_87 = vector.shape_cast %swap3A_86 : vector<16xf32> to vector<16xf32>
    %swap3A_88 = vector.shape_cast %scan3A_45#4 : vector<16xf32> to vector<16xf32>
    tpu.vector_store %arg7[%swap3A_85], %swap3A_88 {strides = array<i32>} : memref<128xf32, #tpu.memory_space<vmem>>, vector<16xf32>,
    %swap3A_89 = arith.constant 64 : index
    %swap3A_90 = tpu.vector_load %arg8[%swap3A_89] {strides = array<i32>} : memref<128xi32, #tpu.memory_space<vmem>>, vector<16xi32>,
    %swap3A_91 = vector.shape_cast %swap3A_90 : vector<16xi32> to vector<16xi32>
    %swap3A_92 = vector.shape_cast %scan3A_45#12 : vector<16xi32> to vector<16xi32>
    tpu.vector_store %arg8[%swap3A_89], %swap3A_92 {strides = array<i32>} : memref<128xi32, #tpu.memory_space<vmem>>, vector<16xi32>,
    %swap3A_93 = arith.constant 80 : index
    %swap3A_94 = tpu.vector_load %arg7[%swap3A_93] {strides = array<i32>} : memref<128xf32, #tpu.memory_space<vmem>>, vector<16xf32>,
    %swap3A_95 = vector.shape_cast %swap3A_94 : vector<16xf32> to vector<16xf32>
    %swap3A_96 = vector.shape_cast %scan3A_45#5 : vector<16xf32> to vector<16xf32>
    tpu.vector_store %arg7[%swap3A_93], %swap3A_96 {strides = array<i32>} : memref<128xf32, #tpu.memory_space<vmem>>, vector<16xf32>,
    %swap3A_97 = arith.constant 80 : index
    %swap3A_98 = tpu.vector_load %arg8[%swap3A_97] {strides = array<i32>} : memref<128xi32, #tpu.memory_space<vmem>>, vector<16xi32>,
    %swap3A_99 = vector.shape_cast %swap3A_98 : vector<16xi32> to vector<16xi32>
    %swap3A_100 = vector.shape_cast %scan3A_45#13 : vector<16xi32> to vector<16xi32>
    tpu.vector_store %arg8[%swap3A_97], %swap3A_100 {strides = array<i32>} : memref<128xi32, #tpu.memory_space<vmem>>, vector<16xi32>,
    %swap3A_101 = arith.constant 96 : index
    %swap3A_102 = tpu.vector_load %arg7[%swap3A_101] {strides = array<i32>} : memref<128xf32, #tpu.memory_space<vmem>>, vector<16xf32>,
    %swap3A_103 = vector.shape_cast %swap3A_102 : vector<16xf32> to vector<16xf32>
    %swap3A_104 = vector.shape_cast %scan3A_45#6 : vector<16xf32> to vector<16xf32>
    tpu.vector_store %arg7[%swap3A_101], %swap3A_104 {strides = array<i32>} : memref<128xf32, #tpu.memory_space<vmem>>, vector<16xf32>,
    %swap3A_105 = arith.constant 96 : index
    %swap3A_106 = tpu.vector_load %arg8[%swap3A_105] {strides = array<i32>} : memref<128xi32, #tpu.memory_space<vmem>>, vector<16xi32>,
    %swap3A_107 = vector.shape_cast %swap3A_106 : vector<16xi32> to vector<16xi32>
    %swap3A_108 = vector.shape_cast %scan3A_45#14 : vector<16xi32> to vector<16xi32>
    tpu.vector_store %arg8[%swap3A_105], %swap3A_108 {strides = array<i32>} : memref<128xi32, #tpu.memory_space<vmem>>, vector<16xi32>,
    %swap3A_109 = arith.constant 112 : index
    %swap3A_110 = tpu.vector_load %arg7[%swap3A_109] {strides = array<i32>} : memref<128xf32, #tpu.memory_space<vmem>>, vector<16xf32>,
    %swap3A_111 = vector.shape_cast %swap3A_110 : vector<16xf32> to vector<16xf32>
    %swap3A_112 = vector.shape_cast %scan3A_45#7 : vector<16xf32> to vector<16xf32>
    tpu.vector_store %arg7[%swap3A_109], %swap3A_112 {strides = array<i32>} : memref<128xf32, #tpu.memory_space<vmem>>, vector<16xf32>,
    %swap3A_113 = arith.constant 112 : index
    %swap3A_114 = tpu.vector_load %arg8[%swap3A_113] {strides = array<i32>} : memref<128xi32, #tpu.memory_space<vmem>>, vector<16xi32>,
    %swap3A_115 = vector.shape_cast %swap3A_114 : vector<16xi32> to vector<16xi32>
    %swap3A_116 = vector.shape_cast %scan3A_45#15 : vector<16xi32> to vector<16xi32>
    tpu.vector_store %arg8[%swap3A_113], %swap3A_116 {strides = array<i32>} : memref<128xi32, #tpu.memory_space<vmem>>, vector<16xi32>,
    %mul3A_117 = arith.constant 512 : i32
    %mul3A_118 = arith.muli %select_n3A_30, %mul3A_117 : i32
    %mul3A_119 = arith.constant 128 : i32
    %mul3A_120 = arith.muli %add3A, %mul3A_119 : i32
    %add3A_121 = arith.addi %mul3A_118, %mul3A_120 : i32
    "tpu.region"() ({
      %run_scoped3A = tpu.sem_alloc : memref<!tpu.dma_semaphore, #tpu.memory_space<semaphore_mem>>
      %dma_start3A_122 = tpu.memref_slice %arg3[%add3A_121] : memref<4096xf32, #tpu.memory_space<hbm>> -> memref<128xf32, #tpu.memory_space<hbm>>
      %dma_start3A_123 = tpu.memref_slice %arg3[%add3A_121] : memref<4096xf32, #tpu.memory_space<hbm>> -> memref<128xf32, #tpu.memory_space<hbm>>
      tpu.enqueue_dma source(%arg7 : memref<128xf32, #tpu.memory_space<vmem>>) target(%dma_start3A_123 : memref<128xf32, #tpu.memory_space<hbm>>) target_semaphore(%run_scoped3A : memref<!tpu.dma_semaphore, #tpu.memory_space<semaphore_mem>>)
      %dma_wait3A_124 = tpu.memref_slice %arg3[%add3A_121] : memref<4096xf32, #tpu.memory_space<hbm>> -> memref<128xf32, #tpu.memory_space<hbm>>
      %dma_wait3A_125 = tpu.memref_slice %arg3[%add3A_121] : memref<4096xf32, #tpu.memory_space<hbm>> -> memref<128xf32, #tpu.memory_space<hbm>>
      tpu.wait_dma2 semaphore(%run_scoped3A : memref<!tpu.dma_semaphore, #tpu.memory_space<semaphore_mem>>) src(%arg7 : memref<128xf32, #tpu.memory_space<vmem>>) dst(%dma_wait3A_125 : memref<128xf32, #tpu.memory_space<hbm>>)
      tpu.yield
    }) : () -> ()
    "tpu.region"() ({
      %run_scoped3A = tpu.sem_alloc : memref<!tpu.dma_semaphore, #tpu.memory_space<semaphore_mem>>
      %dma_start3A_122 = tpu.memref_slice %arg4[%add3A_121] : memref<4096xi32, #tpu.memory_space<hbm>> -> memref<128xi32, #tpu.memory_space<hbm>>
      %dma_start3A_123 = tpu.memref_slice %arg4[%add3A_121] : memref<4096xi32, #tpu.memory_space<hbm>> -> memref<128xi32, #tpu.memory_space<hbm>>
      tpu.enqueue_dma source(%arg8 : memref<128xi32, #tpu.memory_space<vmem>>) target(%dma_start3A_123 : memref<128xi32, #tpu.memory_space<hbm>>) target_semaphore(%run_scoped3A : memref<!tpu.dma_semaphore, #tpu.memory_space<semaphore_mem>>)
      %dma_wait3A_124 = tpu.memref_slice %arg4[%add3A_121] : memref<4096xi32, #tpu.memory_space<hbm>> -> memref<128xi32, #tpu.memory_space<hbm>>
      %dma_wait3A_125 = tpu.memref_slice %arg4[%add3A_121] : memref<4096xi32, #tpu.memory_space<hbm>> -> memref<128xi32, #tpu.memory_space<hbm>>
      tpu.wait_dma2 semaphore(%run_scoped3A : memref<!tpu.dma_semaphore, #tpu.memory_space<semaphore_mem>>) src(%arg8 : memref<128xi32, #tpu.memory_space<vmem>>) dst(%dma_wait3A_125 : memref<128xi32, #tpu.memory_space<hbm>>)
      tpu.yield
    }) : () -> ()
    return
  }
}

module attributes {stable_mosaic.version = 14 : i64} {
  func.func @body(%arg0: i32, %arg1: memref<4096x512xf32, #tpu.memory_space<vmem>>, %arg2: memref<1x512xf32, #tpu.memory_space<vmem>>, %arg3: memref<1x512xi32, #tpu.memory_space<vmem>>, %arg4: memref<1x512xf32, #tpu.memory_space<vmem>>, %arg5: memref<1x512xi32, #tpu.memory_space<vmem>>) attributes {dimension_semantics = [#tpu.dimension_semantics<arbitrary>], iteration_bounds = array<i64: 14>, scalar_prefetch = 0 : i64, scratch_operands = 2 : i64, tpu.core_type = #tpu.core_type<tc>, window_params = [{transform_indices = @transform_0, window_bounds = array<i64: 4096, 512>}, {pipeline_mode = #tpu.pipeline_mode<synchronous>, transform_indices = @transform_1, window_bounds = array<i64: 1, 512>}, {pipeline_mode = #tpu.pipeline_mode<synchronous>, transform_indices = @transform_2, window_bounds = array<i64: 1, 512>}]} {
    %iota3A = tpu.iota {dimensions = array<i32: 0>} : vector<4096x512xi32>
    %mul3A = arith.constant 4096 : i32
    %mul3A_0 = arith.muli %arg0, %mul3A : i32
    %add3A = arith.constant 45056 : i32
    %add3A_1 = arith.addi %add3A, %mul3A_0 : i32
    %add3A_2 = vector.broadcast %add3A_1 : i32 to vector<4096x512xi32>
    %add3A_3 = arith.addi %iota3A, %add3A_2 : vector<4096x512xi32>
    %lt3A = arith.constant 100000 : i32
    %lt3A_4 = vector.broadcast %lt3A : i32 to vector<4096x512xi32>
    %lt3A_5 = arith.cmpi slt, %add3A_3, %lt3A_4 : vector<4096x512xi32>
    %get3A = arith.constant 0 : index
    %get3A_6 = arith.constant 0 : index
    %get3A_7 = vector.load %arg1[%get3A, %get3A_6] : memref<4096x512xf32, #tpu.memory_space<vmem>>, vector<4096x512xf32>
    %jit3A = arith.constant -1.000000e+00 : f32
    %broadcast_in_dim3A = vector.broadcast %jit3A : f32 to vector<4096x512xf32>
    %select_n3A = arith.select %lt3A_5, %get3A_7, %broadcast_in_dim3A : vector<4096x512xi1>, vector<4096x512xf32>
    %reduce_max3A = arith.constant dense<0xFF800000> : vector<512xf32>
    %reduce_max3A_8 = vector.multi_reduction <maximumf>, %select_n3A, %reduce_max3A [0] : vector<4096x512xf32> to vector<512xf32>
    %broadcast_in_dim3A_9 = vector.shape_cast %reduce_max3A_8 : vector<512xf32> to vector<1x512xf32>
    %argmax3A = tpu.reduce_index %select_n3A {axis = 0 : i32, kind = #tpu.reduction_kind<arg_max>} : vector<4096x512xf32> -> vector<512xi32>
    %broadcast_in_dim3A_10 = vector.shape_cast %argmax3A : vector<512xi32> to vector<1x512xi32>
    %mul3A_11 = arith.constant 4096 : i32
    %mul3A_12 = arith.muli %arg0, %mul3A_11 : i32
    %add3A_13 = arith.constant 45056 : i32
    %add3A_14 = arith.addi %add3A_13, %mul3A_12 : i32
    %add3A_15 = vector.broadcast %add3A_14 : i32 to vector<1x512xi32>
    %add3A_16 = arith.addi %broadcast_in_dim3A_10, %add3A_15 : vector<1x512xi32>
    %eq3A = arith.constant 0 : i32
    %eq3A_17 = arith.cmpi eq, %arg0, %eq3A : i32
    %convert_element_type3A = arith.extui %eq3A_17 : i1 to i32
    %cond3A = arith.constant 0 : i32
    %cond3A_18 = arith.cmpi ne, %convert_element_type3A, %cond3A : i32
    scf.if %cond3A_18 {
      %swap3A = arith.constant 0 : index
      %swap3A_28 = arith.constant 0 : index
      %swap3A_29 = vector.load %arg4[%swap3A, %swap3A_28] : memref<1x512xf32, #tpu.memory_space<vmem>>, vector<1x512xf32>
      tpu.vector_store %arg4[%swap3A, %swap3A_28], %broadcast_in_dim3A_9 {strides = array<i32>} : memref<1x512xf32, #tpu.memory_space<vmem>>, vector<1x512xf32>,
      %swap3A_30 = arith.constant 0 : index
      %swap3A_31 = arith.constant 0 : index
      %swap3A_32 = vector.load %arg5[%swap3A_30, %swap3A_31] : memref<1x512xi32, #tpu.memory_space<vmem>>, vector<1x512xi32>
      tpu.vector_store %arg5[%swap3A_30, %swap3A_31], %add3A_16 {strides = array<i32>} : memref<1x512xi32, #tpu.memory_space<vmem>>, vector<1x512xi32>,
    } else {
    }
    %gt3A = arith.constant 0 : i32
    %gt3A_19 = arith.cmpi sgt, %arg0, %gt3A : i32
    %convert_element_type3A_20 = arith.extui %gt3A_19 : i1 to i32
    %cond3A_21 = arith.constant 0 : i32
    %cond3A_22 = arith.cmpi ne, %convert_element_type3A_20, %cond3A_21 : i32
    scf.if %cond3A_22 {
      %get3A_28 = arith.constant 0 : index
      %get3A_29 = arith.constant 0 : index
      %get3A_30 = vector.load %arg4[%get3A_28, %get3A_29] : memref<1x512xf32, #tpu.memory_space<vmem>>, vector<1x512xf32>
      %gt3A_31 = arith.cmpf ogt, %broadcast_in_dim3A_9, %get3A_30 : vector<1x512xf32>
      %get3A_32 = arith.constant 0 : index
      %get3A_33 = arith.constant 0 : index
      %get3A_34 = vector.load %arg4[%get3A_32, %get3A_33] : memref<1x512xf32, #tpu.memory_space<vmem>>, vector<1x512xf32>
      %select_n3A_35 = arith.select %gt3A_31, %broadcast_in_dim3A_9, %get3A_34 : vector<1x512xi1>, vector<1x512xf32>
      %swap3A = arith.constant 0 : index
      %swap3A_36 = arith.constant 0 : index
      %swap3A_37 = vector.load %arg4[%swap3A, %swap3A_36] : memref<1x512xf32, #tpu.memory_space<vmem>>, vector<1x512xf32>
      tpu.vector_store %arg4[%swap3A, %swap3A_36], %select_n3A_35 {strides = array<i32>} : memref<1x512xf32, #tpu.memory_space<vmem>>, vector<1x512xf32>,
      %get3A_38 = arith.constant 0 : index
      %get3A_39 = arith.constant 0 : index
      %get3A_40 = vector.load %arg5[%get3A_38, %get3A_39] : memref<1x512xi32, #tpu.memory_space<vmem>>, vector<1x512xi32>
      %select_n3A_41 = arith.select %gt3A_31, %add3A_16, %get3A_40 : vector<1x512xi1>, vector<1x512xi32>
      %swap3A_42 = arith.constant 0 : index
      %swap3A_43 = arith.constant 0 : index
      %swap3A_44 = vector.load %arg5[%swap3A_42, %swap3A_43] : memref<1x512xi32, #tpu.memory_space<vmem>>, vector<1x512xi32>
      tpu.vector_store %arg5[%swap3A_42, %swap3A_43], %select_n3A_41 {strides = array<i32>} : memref<1x512xi32, #tpu.memory_space<vmem>>, vector<1x512xi32>,
    } else {
    }
    %eq3A_23 = arith.constant 13 : i32
    %eq3A_24 = arith.cmpi eq, %arg0, %eq3A_23 : i32
    %convert_element_type3A_25 = arith.extui %eq3A_24 : i1 to i32
    %cond3A_26 = arith.constant 0 : i32
    %cond3A_27 = arith.cmpi ne, %convert_element_type3A_25, %cond3A_26 : i32
    scf.if %cond3A_27 {
      %get3A_28 = arith.constant 0 : index
      %get3A_29 = arith.constant 0 : index
      %get3A_30 = vector.load %arg4[%get3A_28, %get3A_29] : memref<1x512xf32, #tpu.memory_space<vmem>>, vector<1x512xf32>
      %swap3A = arith.constant 0 : index
      %swap3A_31 = arith.constant 0 : index
      %swap3A_32 = vector.load %arg2[%swap3A, %swap3A_31] : memref<1x512xf32, #tpu.memory_space<vmem>>, vector<1x512xf32>
      tpu.vector_store %arg2[%swap3A, %swap3A_31], %get3A_30 {strides = array<i32>} : memref<1x512xf32, #tpu.memory_space<vmem>>, vector<1x512xf32>,
      %get3A_33 = arith.constant 0 : index
      %get3A_34 = arith.constant 0 : index
      %get3A_35 = vector.load %arg5[%get3A_33, %get3A_34] : memref<1x512xi32, #tpu.memory_space<vmem>>, vector<1x512xi32>
      %swap3A_36 = arith.constant 0 : index
      %swap3A_37 = arith.constant 0 : index
      %swap3A_38 = vector.load %arg3[%swap3A_36, %swap3A_37] : memref<1x512xi32, #tpu.memory_space<vmem>>, vector<1x512xi32>
      tpu.vector_store %arg3[%swap3A_36, %swap3A_37], %get3A_35 {strides = array<i32>} : memref<1x512xi32, #tpu.memory_space<vmem>>, vector<1x512xi32>,
    } else {
    }
    return
  }
  func.func @transform_0(%arg0: i32) -> (i32, i32) {
    %add3A = arith.constant 11 : i32
    %add3A_0 = arith.addi %add3A, %arg0 : i32
    %c0_i32 = arith.constant 0 : i32
    %c0_i32_1 = arith.constant 0 : i32
    return %add3A_0, %c0_i32 : i32, i32
  }
  func.func @transform_1(%arg0: i32) -> (i32, i32) {
    %c0_i32 = arith.constant 0 : i32
    %c0_i32_0 = arith.constant 0 : i32
    %c0_i32_1 = arith.constant 0 : i32
    return %c0_i32, %c0_i32_0 : i32, i32
  }
  func.func @transform_2(%arg0: i32) -> (i32, i32) {
    %c0_i32 = arith.constant 0 : i32
    %c0_i32_0 = arith.constant 0 : i32
    %c0_i32_1 = arith.constant 0 : i32
    return %c0_i32, %c0_i32_0 : i32, i32
  }
}

module attributes {stable_mosaic.version = 14 : i64} {
  func.func @body(%arg0: memref<4096xf32, #tpu.memory_space<vmem>>, %arg1: memref<4096xi32, #tpu.memory_space<vmem>>, %arg2: memref<512xf32, #tpu.memory_space<vmem>>, %arg3: memref<512xi32, #tpu.memory_space<vmem>>, %arg4: memref<512xi32, #tpu.memory_space<vmem>>) attributes {dimension_semantics = [], scalar_prefetch = 0 : i64, scratch_operands = 0 : i64, tpu.core_type = #tpu.core_type<tc>} {
    %get3A = arith.constant 0 : index
    %get3A_0 = vector.load %arg0[%get3A] : memref<4096xf32, #tpu.memory_space<vmem>>, vector<512xf32>
    %get3A_1 = arith.constant 512 : index
    %get3A_2 = vector.load %arg0[%get3A_1] : memref<4096xf32, #tpu.memory_space<vmem>>, vector<512xf32>
    %get3A_3 = arith.constant 1024 : index
    %get3A_4 = vector.load %arg0[%get3A_3] : memref<4096xf32, #tpu.memory_space<vmem>>, vector<512xf32>
    %get3A_5 = arith.constant 1536 : index
    %get3A_6 = vector.load %arg0[%get3A_5] : memref<4096xf32, #tpu.memory_space<vmem>>, vector<512xf32>
    %get3A_7 = arith.constant 2048 : index
    %get3A_8 = vector.load %arg0[%get3A_7] : memref<4096xf32, #tpu.memory_space<vmem>>, vector<512xf32>
    %get3A_9 = arith.constant 2560 : index
    %get3A_10 = vector.load %arg0[%get3A_9] : memref<4096xf32, #tpu.memory_space<vmem>>, vector<512xf32>
    %get3A_11 = arith.constant 3072 : index
    %get3A_12 = vector.load %arg0[%get3A_11] : memref<4096xf32, #tpu.memory_space<vmem>>, vector<512xf32>
    %get3A_13 = arith.constant 3584 : index
    %get3A_14 = vector.load %arg0[%get3A_13] : memref<4096xf32, #tpu.memory_space<vmem>>, vector<512xf32>
    %get3A_15 = arith.constant 0 : index
    %get3A_16 = vector.load %arg1[%get3A_15] : memref<4096xi32, #tpu.memory_space<vmem>>, vector<512xi32>
    %get3A_17 = arith.constant 512 : index
    %get3A_18 = vector.load %arg1[%get3A_17] : memref<4096xi32, #tpu.memory_space<vmem>>, vector<512xi32>
    %get3A_19 = arith.constant 1024 : index
    %get3A_20 = vector.load %arg1[%get3A_19] : memref<4096xi32, #tpu.memory_space<vmem>>, vector<512xi32>
    %get3A_21 = arith.constant 1536 : index
    %get3A_22 = vector.load %arg1[%get3A_21] : memref<4096xi32, #tpu.memory_space<vmem>>, vector<512xi32>
    %get3A_23 = arith.constant 2048 : index
    %get3A_24 = vector.load %arg1[%get3A_23] : memref<4096xi32, #tpu.memory_space<vmem>>, vector<512xi32>
    %get3A_25 = arith.constant 2560 : index
    %get3A_26 = vector.load %arg1[%get3A_25] : memref<4096xi32, #tpu.memory_space<vmem>>, vector<512xi32>
    %get3A_27 = arith.constant 3072 : index
    %get3A_28 = vector.load %arg1[%get3A_27] : memref<4096xi32, #tpu.memory_space<vmem>>, vector<512xi32>
    %get3A_29 = arith.constant 3584 : index
    %get3A_30 = vector.load %arg1[%get3A_29] : memref<4096xi32, #tpu.memory_space<vmem>>, vector<512xi32>
    %get3A_31 = arith.constant 0 : index
    %get3A_32 = vector.load %arg2[%get3A_31] : memref<512xf32, #tpu.memory_space<vmem>>, vector<512xf32>
    %get3A_33 = arith.constant 0 : index
    %get3A_34 = vector.load %arg3[%get3A_33] : memref<512xi32, #tpu.memory_space<vmem>>, vector<512xi32>
    %max3A = arith.maximumf %get3A_0, %get3A_2 : vector<512xf32>
    %max3A_35 = arith.maximumf %max3A, %get3A_4 : vector<512xf32>
    %max3A_36 = arith.maximumf %max3A_35, %get3A_6 : vector<512xf32>
    %max3A_37 = arith.maximumf %max3A_36, %get3A_8 : vector<512xf32>
    %max3A_38 = arith.maximumf %max3A_37, %get3A_10 : vector<512xf32>
    %max3A_39 = arith.maximumf %max3A_38, %get3A_12 : vector<512xf32>
    %max3A_40 = arith.maximumf %max3A_39, %get3A_14 : vector<512xf32>
    %max3A_41 = arith.maximumf %max3A_40, %get3A_32 : vector<512xf32>
    %eq3A = arith.cmpf oeq, %get3A_0, %max3A_41 : vector<512xf32>
    %jit3A = arith.constant 1073741824 : i32
    %broadcast_in_dim3A = vector.broadcast %jit3A : i32 to vector<512xi32>
    %select_n3A = arith.select %eq3A, %get3A_16, %broadcast_in_dim3A : vector<512xi1>, vector<512xi32>
    %eq3A_42 = arith.cmpf oeq, %get3A_2, %max3A_41 : vector<512xf32>
    %jit3A_43 = arith.constant 1073741824 : i32
    %broadcast_in_dim3A_44 = vector.broadcast %jit3A_43 : i32 to vector<512xi32>
    %select_n3A_45 = arith.select %eq3A_42, %get3A_18, %broadcast_in_dim3A_44 : vector<512xi1>, vector<512xi32>
    %min3A = arith.minsi %select_n3A, %select_n3A_45 : vector<512xi32>
    %eq3A_46 = arith.cmpf oeq, %get3A_4, %max3A_41 : vector<512xf32>
    %jit3A_47 = arith.constant 1073741824 : i32
    %broadcast_in_dim3A_48 = vector.broadcast %jit3A_47 : i32 to vector<512xi32>
    %select_n3A_49 = arith.select %eq3A_46, %get3A_20, %broadcast_in_dim3A_48 : vector<512xi1>, vector<512xi32>
    %min3A_50 = arith.minsi %min3A, %select_n3A_49 : vector<512xi32>
    %eq3A_51 = arith.cmpf oeq, %get3A_6, %max3A_41 : vector<512xf32>
    %jit3A_52 = arith.constant 1073741824 : i32
    %broadcast_in_dim3A_53 = vector.broadcast %jit3A_52 : i32 to vector<512xi32>
    %select_n3A_54 = arith.select %eq3A_51, %get3A_22, %broadcast_in_dim3A_53 : vector<512xi1>, vector<512xi32>
    %min3A_55 = arith.minsi %min3A_50, %select_n3A_54 : vector<512xi32>
    %eq3A_56 = arith.cmpf oeq, %get3A_8, %max3A_41 : vector<512xf32>
    %jit3A_57 = arith.constant 1073741824 : i32
    %broadcast_in_dim3A_58 = vector.broadcast %jit3A_57 : i32 to vector<512xi32>
    %select_n3A_59 = arith.select %eq3A_56, %get3A_24, %broadcast_in_dim3A_58 : vector<512xi1>, vector<512xi32>
    %min3A_60 = arith.minsi %min3A_55, %select_n3A_59 : vector<512xi32>
    %eq3A_61 = arith.cmpf oeq, %get3A_10, %max3A_41 : vector<512xf32>
    %jit3A_62 = arith.constant 1073741824 : i32
    %broadcast_in_dim3A_63 = vector.broadcast %jit3A_62 : i32 to vector<512xi32>
    %select_n3A_64 = arith.select %eq3A_61, %get3A_26, %broadcast_in_dim3A_63 : vector<512xi1>, vector<512xi32>
    %min3A_65 = arith.minsi %min3A_60, %select_n3A_64 : vector<512xi32>
    %eq3A_66 = arith.cmpf oeq, %get3A_12, %max3A_41 : vector<512xf32>
    %jit3A_67 = arith.constant 1073741824 : i32
    %broadcast_in_dim3A_68 = vector.broadcast %jit3A_67 : i32 to vector<512xi32>
    %select_n3A_69 = arith.select %eq3A_66, %get3A_28, %broadcast_in_dim3A_68 : vector<512xi1>, vector<512xi32>
    %min3A_70 = arith.minsi %min3A_65, %select_n3A_69 : vector<512xi32>
    %eq3A_71 = arith.cmpf oeq, %get3A_14, %max3A_41 : vector<512xf32>
    %jit3A_72 = arith.constant 1073741824 : i32
    %broadcast_in_dim3A_73 = vector.broadcast %jit3A_72 : i32 to vector<512xi32>
    %select_n3A_74 = arith.select %eq3A_71, %get3A_30, %broadcast_in_dim3A_73 : vector<512xi1>, vector<512xi32>
    %min3A_75 = arith.minsi %min3A_70, %select_n3A_74 : vector<512xi32>
    %eq3A_76 = arith.cmpf oeq, %get3A_32, %max3A_41 : vector<512xf32>
    %jit3A_77 = arith.constant 1073741824 : i32
    %broadcast_in_dim3A_78 = vector.broadcast %jit3A_77 : i32 to vector<512xi32>
    %select_n3A_79 = arith.select %eq3A_76, %get3A_34, %broadcast_in_dim3A_78 : vector<512xi1>, vector<512xi32>
    %min3A_80 = arith.minsi %min3A_75, %select_n3A_79 : vector<512xi32>
    %swap3A = arith.constant 0 : index
    %swap3A_81 = vector.load %arg4[%swap3A] : memref<512xi32, #tpu.memory_space<vmem>>, vector<512xi32>
    tpu.vector_store %arg4[%swap3A], %min3A_80 {strides = array<i32>} : memref<512xi32, #tpu.memory_space<vmem>>, vector<512xi32>,
    return
  }
}

module attributes {stable_mosaic.version = 14 : i64} {
  func.func @body2(%arg0: memref<128x4xi32, #tpu.memory_space<vmem>>, %arg1: memref<128x4xi32, #tpu.memory_space<vmem>>, %arg2: memref<128x1xi32, #tpu.memory_space<vmem>>, %arg3: memref<128x1xi32, #tpu.memory_space<vmem>>, %arg4: memref<128x5xi32, #tpu.memory_space<vmem>>) attributes {dimension_semantics = [], scalar_prefetch = 0 : i64, scratch_operands = 0 : i64, tpu.core_type = #tpu.core_type<tc>} {
    %get3A = arith.constant 0 : index
    %get3A_0 = arith.constant 0 : index
    %get3A_1 = vector.load %arg0[%get3A, %get3A_0] : memref<128x4xi32, #tpu.memory_space<vmem>>, vector<128x4xi32>
    %get3A_2 = arith.constant 0 : index
    %get3A_3 = arith.constant 0 : index
    %get3A_4 = vector.load %arg1[%get3A_2, %get3A_3] : memref<128x4xi32, #tpu.memory_space<vmem>>, vector<128x4xi32>
    %get3A_5 = arith.constant 0 : index
    %get3A_6 = arith.constant 0 : index
    %get3A_7 = vector.load %arg2[%get3A_5, %get3A_6] : memref<128x1xi32, #tpu.memory_space<vmem>>, vector<128x1xi32>
    %get3A_8 = arith.constant 0 : index
    %get3A_9 = arith.constant 0 : index
    %get3A_10 = vector.load %arg3[%get3A_8, %get3A_9] : memref<128x1xi32, #tpu.memory_space<vmem>>, vector<128x1xi32>
    %broadcast_in_dim3A = arith.constant 0 : i32
    %broadcast_in_dim3A_11 = vector.broadcast %broadcast_in_dim3A : i32 to vector<1x1xi32>
    %slice3A = vector.extract_strided_slice %get3A_7 {offsets = [0, 0], sizes = [127, 1], strides = [1, 1]} : vector<128x1xi32> to vector<127x1xi32>
    %concatenate3A = tpu.concatenate %broadcast_in_dim3A_11, %slice3A in 0 : vector<1x1xi32>, vector<127x1xi32> -> vector<128x1xi32>
    %sub3A = arith.subi %get3A_7, %concatenate3A : vector<128x1xi32>
    %iota3A = tpu.iota {dimensions = array<i32: 1>} : vector<128x4xi32>
    %ne3A = arith.cmpi ne, %get3A_4, %get3A_1 : vector<128x4xi32>
    %jit3A = arith.constant 8 : i32
    %broadcast_in_dim3A_12 = vector.broadcast %jit3A : i32 to vector<128x4xi32>
    %select_n3A = arith.select %ne3A, %iota3A, %broadcast_in_dim3A_12 : vector<128x4xi1>, vector<128x4xi32>
    %reduce_min3A = arith.constant dense<2147483647> : vector<128xi32>
    %reduce_min3A_13 = vector.multi_reduction <minsi>, %select_n3A, %reduce_min3A [1] : vector<128x4xi32> to vector<128xi32>
    %broadcast_in_dim3A_14 = vector.shape_cast %reduce_min3A_13 : vector<128xi32> to vector<128x1xi32>
    %eq3A = arith.constant 8 : i32
    %eq3A_15 = vector.broadcast %eq3A : i32 to vector<128x1xi32>
    %eq3A_16 = arith.cmpi eq, %broadcast_in_dim3A_14, %eq3A_15 : vector<128x1xi32>
    %select_n3A_17 = arith.select %eq3A_16, %sub3A, %broadcast_in_dim3A_14 : vector<128x1xi1>, vector<128x1xi32>
    %add3A = arith.constant 1 : i32
    %add3A_18 = vector.broadcast %add3A : i32 to vector<128x1xi32>
    %add3A_19 = arith.addi %select_n3A_17, %add3A_18 : vector<128x1xi32>
    %min3A = arith.minsi %add3A_19, %sub3A : vector<128x1xi32>
    %lt3A = vector.broadcast %min3A : vector<128x1xi32> to vector<128x4xi32>
    %lt3A_20 = arith.cmpi slt, %iota3A, %lt3A : vector<128x4xi32>
    %jit3A_21 = arith.constant -1 : i32
    %broadcast_in_dim3A_22 = vector.broadcast %jit3A_21 : i32 to vector<128x4xi32>
    %select_n3A_23 = arith.select %lt3A_20, %get3A_1, %broadcast_in_dim3A_22 : vector<128x4xi1>, vector<128x4xi32>
    %ge3A = arith.cmpi sge, %select_n3A_17, %sub3A : vector<128x1xi32>
    %jit3A_24 = arith.constant -1 : i32
    %broadcast_in_dim3A_25 = vector.broadcast %jit3A_24 : i32 to vector<128x1xi32>
    %select_n3A_26 = arith.select %ge3A, %get3A_10, %broadcast_in_dim3A_25 : vector<128x1xi1>, vector<128x1xi32>
    %concatenate3A_27 = tpu.concatenate %select_n3A_23, %select_n3A_26 in 1 : vector<128x4xi32>, vector<128x1xi32> -> vector<128x5xi32>
    %swap3A = arith.constant 0 : index
    %swap3A_28 = arith.constant 0 : index
    %swap3A_29 = vector.load %arg4[%swap3A, %swap3A_28] : memref<128x5xi32, #tpu.memory_space<vmem>>, vector<128x5xi32>
    tpu.vector_store %arg4[%swap3A, %swap3A_28], %concatenate3A_27 {strides = array<i32>} : memref<128x5xi32, #tpu.memory_space<vmem>>, vector<128x5xi32>,
    return
  }
}

</mosaic_0001>

<sc_bundles>
// kernel: kernel.6.cloned.1.call-start
scs
__scs_entry_jumppad:
0x0: {  	(pc) =	sbr.rel $0x88, $3  }
0x1: {  	(tag) =	ssettag $0x0;
	lr =	simm.s32 $0x1  }
0x2: {  	[smem:$0x3F9D] =	sst lr;
	_ =	strace $0xD0000000  }
0x3: {  	_ = 	snop  }
0x4: {  	_ = 	snop  }
0x5: {  	_ = 	snop  }
0x6: {  	_ = 	snop  }
0x7: {  	_ = 	snop  }
__scs_overlays_trampoline_lowered:
0x8: {  	[smem:$0x3FAC] =	sst s0  }
0x9: {  	[smem:$0x3FAD] =	sst s1  }
0xa: {  	[smem:$0x3FAE] =	sst s2  }
0xb: {  	[smem:$0x3FAF] =	sst s3  }
0xc: {  	[smem:$0x3FB0] =	sst s4  }
0xd: {  	[smem:$0x3FB1] =	sst s5  }
0xe: {  	[smem:$0x3FB2] =	sst s6  }
0xf: {  	[smem:$0x3FB3] =	sst s7  }
0x10: {  	[smem:$0x3FB4] =	sst s8  }
0x11: {  	[smem:$0x3FB5] =	sst s9;
	s0 =	simm.s32 @!p0 $0x0  }
0x12: {  	s1 =	sld [smem:$0x3F9B];
	s0 =	simm.s32 @p0 $0x1  }
0x13: {  	[smem:$0x3FB6] =	sst s0;
	s0 =	simm.s32 @!p1 $0x0  }
0x14: {  	s2 =	sld [smem:$0x3F9A];
	s0 =	simm.s32 @p1 $0x1  }
0x15: {  	[smem:$0x3FB7] =	sst s0;
	s0 =	simm.s32 @!p2 $0x0  }
0x16: {  	s3 =	sld [smem:$0x3FDB];
	s0 =	simm.s32 @p2 $0x1  }
0x17: {  	s4 =	simm.s32 $0x1BF5;
	[smem:$0x3FB9] =	sst s0  }
0x18: {  	s0 =	sld [smem:$0x3F9C];
	_ =	swait.ge [sflag:s4], $0x0  }
0x19: {  	s7 =	sld [smem:$0x3F9D]  }
0x1a: {  	s8 =	sadd.s32 $0xFFFFE003, lr  }
0x1b: {  	s9 =	sadd.s32 $0xFFFFFEF7, lr;
	s5 =	simm.s32 $0xFFFFFFFF;
	p2 =	slt.u32 s8, $0xFFFFF086  }
0x1c: {  	p1 =	slt.u32 s9, $0xF7A;
	s5 =	simm.s32 @!p2 $0x0  }
0x1d: {  	s5 =	simm.s32 @p1 $0x1;
	p0 =	seq.s32 s7, s2  }
0x1e: {  	s7 =	smul.u32 @!p0 $0xF7A, s2;
	p2 =	seq.s32 @!p0 s5, $0x0  }
0x1f: {  	s9 =	smul.u32 $0xF7A, s1;
	s8 =	simm.s32 @!p0 $0x1BF5;
	p2 =	por !p2, p0  }
0x20: {  	[sflag:s8] =	ssyncset.s32 @!p0 $0xFFFFF086;
	s6 =	sadd.s32 @!p0 s3, s7;
	s7 =	simm.s32 @!p0 $0x108  }
0x21: {  	s3 =	sadd.s32 s3, s9;
	s6 =	sadd.s32 @!p0 $0x88, s6;
	s7 =	simm.s32 @p2 $0x1082  }
0x22: {  	[simem:s7], [sflag:s8] =	dma.local @!p0 [hbm:s6], $0xF7A  }
0x23: {  	s9 =	sor.u32 $0xD0000000, s2;
	s6 =	simm.s32 $0x108;
	_ =	swait.ge @!p0 [sflag:s8], $0x0  }
0x24: {  	s3 =	sadd.s32 $0x88, s3;
	s6 =	simm.s32 @!p1 $0x1082;
	[sflag:s4] =	ssyncset.s32 $0xFFFFF086  }
0x25: {  	[simem:s6], [sflag:s4] =	dma.local [hbm:s3], $0xF7A  }
0x26: {  	[smem:$0x3F9D] =	sst s1;
	(tag) =	ssettag s2;
	_ =	strace s9  }
0x27: {  	s1 =	sld [smem:$0x3FAD]  }
0x28: {  	s2 =	sld [smem:$0x3FAE]  }
0x29: {  	s4 =	sld [smem:$0x3FB0]  }
0x2a: {  	p0 =	seq.s32 s5, $0x0;
	s5 =	sld [smem:$0x3FB1]  }
0x2b: {  	s6 =	sld [smem:$0x3FB2]  }
0x2c: {  	s7 =	sld [smem:$0x3FB3]  }
0x2d: {  	s3 =	simm.s32 $0x108;
	s8 =	sld [smem:$0x3FB4]  }
0x2e: {  	s3 =	simm.s32 @!p0 $0x1082;
	s9 =	sld [smem:$0x3FB5]  }
0x2f: {  	lr =	sadd.s32 s0, s3;
	s0 =	sld [smem:$0x3FAC]  }
0x30: {  	s3 =	sld [smem:$0x3FAF]  }
0x31: {  	[smem:$0x3FB8] =	sst s10  }
0x32: {  	s10 =	sld [smem:$0x3FB6];
	_ =	sdelay $0x3  }
0x33: {  	p0 =	seq.s32 s10, $0x1;
	s10 =	sld [smem:$0x3FB8];
	_ =	sdelay $0x3  }
0x34: {  	[smem:$0x3FB8] =	sst s10  }
0x35: {  	s10 =	sld [smem:$0x3FB7];
	_ =	sdelay $0x3  }
0x36: {  	p1 =	seq.s32 s10, $0x1;
	s10 =	sld [smem:$0x3FB8];
	_ =	sdelay $0x3  }
0x37: {  	[smem:$0x3FB8] =	sst s10  }
0x38: {  	s10 =	sld [smem:$0x3FB9]  }
0x39: {  	_ = 	snop;
	(pc) =	sbr.ind lr, $3  }
0x3a: {  	_ = 	snop  }
0x3b: {  	_ = 	snop  }
0x3c: {  	p2 =	seq.s32 s10, $0x1;
	s10 =	sld [smem:$0x3FB8]  }
0x3d: {  	_ =	shalt  }
0x3e: {  	_ =	shalt  }
0x3f: {  	_ =	shalt  }
0x40: {  	_ =	shalt  }
0x41: {  	_ =	shalt  }
0x42: {  	_ =	shalt  }
0x43: {  	_ =	shalt  }
0x44: {  	_ =	shalt  }
0x45: {  	_ =	shalt  }
0x46: {  	_ =	shalt  }
0x47: {  	_ =	shalt  }
0x48: {  	_ =	shalt  }
0x49: {  	_ =	shalt  }
0x4a: {  	_ =	shalt  }
0x4b: {  	_ =	shalt  }
0x4c: {  	_ =	shalt  }
0x4d: {  	_ =	shalt  }
0x4e: {  	_ =	shalt  }
0x4f: {  	_ =	shalt  }
0x50: {  	_ =	shalt  }
0x51: {  	_ =	shalt  }
0x52: {  	_ =	shalt  }
0x53: {  	_ =	shalt  }
0x54: {  	_ =	shalt  }
0x55: {  	_ =	shalt  }
0x56: {  	_ =	shalt  }
0x57: {  	_ =	shalt  }
0x58: {  	_ =	shalt  }
0x59: {  	_ =	shalt  }
0x5a: {  	_ =	shalt  }
0x5b: {  	_ =	shalt  }
0x5c: {  	_ =	shalt  }
0x5d: {  	_ =	shalt  }
0x5e: {  	_ =	shalt  }
0x5f: {  	_ =	shalt  }
0x60: {  	_ =	shalt  }
0x61: {  	_ =	shalt  }
0x62: {  	_ =	shalt  }
0x63: {  	_ =	shalt  }
0x64: {  	_ =	shalt  }
0x65: {  	_ =	shalt  }
0x66: {  	_ =	shalt  }
0x67: {  	_ =	shalt  }
0x68: {  	_ =	shalt  }
0x69: {  	_ =	shalt  }
0x6a: {  	_ =	shalt  }
0x6b: {  	_ =	shalt  }
0x6c: {  	_ =	shalt  }
0x6d: {  	_ =	shalt  }
0x6e: {  	_ =	shalt  }
0x6f: {  	_ =	shalt  }
0x70: {  	_ =	shalt  }
0x71: {  	_ =	shalt  }
0x72: {  	_ =	shalt  }
0x73: {  	_ =	shalt  }
0x74: {  	_ =	shalt  }
0x75: {  	_ =	shalt  }
0x76: {  	_ =	shalt  }
0x77: {  	_ =	shalt  }
0x78: {  	_ =	shalt  }
0x79: {  	_ =	shalt  }
0x7a: {  	_ =	shalt  }
0x7b: {  	_ =	shalt  }
0x7c: {  	_ =	shalt  }
0x7d: {  	_ =	shalt  }
0x7e: {  	_ =	shalt  }
0x7f: {  	_ =	shalt  }
0x80: {  	_ =	shalt  }
0x81: {  	_ =	shalt  }
0x82: {  	_ =	shalt  }
0x83: {  	_ =	shalt  }
0x84: {  	_ =	shalt  }
0x85: {  	_ =	shalt  }
0x86: {  	_ =	shalt  }
0x87: {  	_ =	shalt  }
.Lfunc_end0:
.L_simem_size_0:
called_computation_lowered:
.L_overlay_start_0:
0x88: {  	s2 =	sld [smem:$0x3FD9]  }
0x89: {  	s3 =	sld [smem:$0x3FFE];
	_ =	sdelay $0x1  }
0x8a: {  	s1 =	srdreg.scid  }
0x8b: {  	s0 =	sand.u32 $0x1, s1  }
0x8c: {  	s17 =	sshll.u32 s0, $0xA;
	s2 =	sadd.s32 s3, s2  }
0x8d: {  	s2 =	sadd.s32 s2, s17  }
0x8e: {  	[smem:$0x3FC4] =	sst s2  }
0x8f: {  	_ = 	snop  }
0x90: {  	s2 =	sld [smem:$0x3FC7];
	(tm) =	ssettm $0x1  }
0x91: {  	s18 =	sld [smem:$0x3FFB];
	_ =	sdelay $0x3  }
0x92: {  	_ =	strace s18  }
0x93: {  	s3 =	sld [smem:$0x3FFC];
	_ =	sdelay $0x3  }
0x94: {  	_ =	strace s3  }
0x95: {  	s3 =	sld [smem:$0x3FFD];
	_ =	sdelay $0x3  }
0x96: {  	_ =	strace s3  }
0x97: {  	_ =	strace $0x8FFFFFFF  }
0x98: {  	s19 =	sld [smem:$0x3FDB];
	_ =	sdelay $0x1  }
0x99: {  	s4 =	simm.s32 $_scs_section_size  }
0x9a: {  	s5 =	simm.s32 $_size__tile_overlayer_lowered;
	s6 =	simm.s32 $_tile_overlayer_lowered  }
0x9b: {  	s22 =	simm.s32 $0x1BFF;
	s21 =	sshll.u32 s6, $0x1;
	s3 =	sadd.s32 s4, s19  }
0x9c: {  	s7 =	simm.s32 $0x0;
	s20 =	sshll.u32 s5, $0x1;
	s5 =	sadd.s32 s21, s3  }
0x9d: {  	[timem:s7], [sflag:s22] =	dma.local [hbm:s5], s20  }
0x9e: {  	_ =	swait.ge [sflag:s22], s20  }
0x9f: {  	s4 =	ssub.s32 $0x0, s20;
	[sflag:s22] =	ssyncset.done $0x0  }
0xa0: {  	[sflag:s22] =	ssyncadd.s32 s4;
	_ =	sdelay $0x1  }
0xa1: {  	s23 =	simm.s32 $0x1B8B  }
0xa2: {  	_ =	swait.ge [sflag:s23], $0x1  }
0xa3: {  	[sflag:s23] =	ssyncset.done $0x0  }
0xa4: {  	s25 =	simm.s32 $0x1B8E;
	s24 =	sld [smem:$0x3FFE];
	[sflag:s23] =	ssyncadd.s32 $0xFFFFFFFF  }
0xa5: {  	s26 =	simm.s32 $execute0_lowered;
	[smem:$0x3FD2] =	sst s25  }
0xa6: {  	s5 =	sshll.u32 s26, $0x1;
	_ =	strace $0x80000046;
	[dreg:$0x1] =	wrdreg $0xFFFFFFFF  }
0xa7: {  	s28 =	simm.s32 $_size_execute0_lowered;
	s3 =	sadd.s32 s3, s5;
	[dreg:$0x0] =	wrdreg $0x0  }
0xa8: {  	s5 =	sshll.u32 s28, $0x1;
	[dreg:$0x2] =	wrdreg s3  }
0xa9: {  	[dreg:$0x3] =	wrdreg s5  }
0xaa: {  	[dreg:$0x4] =	wrdreg $0xC0  }
0xab: {  	_ =	task [dreg:s7], $0x5FFFF  }
0xac: {  	[dreg:$0x1] =	wrdreg $0xFFFFFFFF  }
0xad: {  	[dreg:$0x0] =	wrdreg $0x60  }
0xae: {  	[dreg:$0x2] =	wrdreg s2  }
0xaf: {  	[dreg:$0x3] =	wrdreg s24  }
0xb0: {  	[dreg:$0x4] =	wrdreg $0x9  }
0xb1: {  	_ =	task.clear_ibuf [dreg:s7], $0x5FFFF;
	_ =	strace $0x90000046  }
0xb2: {  	s29 =	simm.s32 $0x9;
	_ =	strace $0x80000048  }
0xb3: {  	_ =	swait.ge [sflag:s29], $0x1  }
0xb4: {  	[sflag:s29] =	ssyncadd.s32 $0xFFFFFFFF  }
0xb5: {  	_ =	strace $0x90000048  }
0xb6: {  	_ =	sfence  }
0xb7: {  	s30 =	sld [smem:$0x0];
	_ =	sdelay $0x2  }
0xb8: {  	s31 =	sshll.u32 s1, $0xD;
	s1 =	sshrl.u32 s1, $0x2  }
0xb9: {  	s3 =	sand.u32 $0x4000, s31;
	s1 =	sadd.s32 s1, s30  }
0xba: {  	s0 =	sor.u32 s3, s0;
	s1 =	sshll.u32 s1, $0x11  }
0xbb: {  	s0 =	sor.u32 s1, s0  }
0xbc: {  	s0 =	sadd.s32 $0x8F2B, s0  }
0xbd: {  	[sflag:s0] =	ssyncadd.remote.s32 $0x1  }
0xbe: {  	_ =	sfence.sel $0xFFFF  }
0xbf: {  	[dreg:$0x0] =	wrdreg $0xFFFFFFFF;
	(pc) =	sbr.abs _section_cstart, $3  }
0xc0: {  	[dreg:$0x1] =	wrdreg $0xFFFFFFFF  }
0xc1: {  	_ =	task.clear_ibuf [dreg:s7], $0x2FFFF;
	_ =	strace $0x9FFFFFFF  }
0xc2: {  	(tm) =	ssettm $0x7FFFFFFF  }
0xc3: {  	_ =	shalt  }
tec
execute0_lowered:
.L_overlay_start_1:
0x0: {  	(tag) =	ssettag $0x1  }
0x1: {  	s6 =	rddreg [dreg:$0x0]  }
0x2: {  	s4 =	rddreg [dreg:$0x1]  }
0x3: {  	s2 =	srdreg.scid;
	s1 =	stileid.u32  }
0x4: {  	s0 =	rddreg [dreg:$0x2];
	s12 =	simm.s32 $0x1000;
	s13 =	simm.s32 $0xB800  }
0x5: {  	s14 =	simm.s32 $0x1;
	s15 =	simm.s32 $0x2;
	s16 =	simm.s32 $0x17000  }
0x6: {  	s17 =	simm.s32 $0x3;
	s18 =	simm.s32 $0x17080;
	s19 =	simm.s32 $0x0  }
0x7: {  	s3 =	sand.u32 $0x1, s2;
	s28 =	sshll.u32 s1, $0x4;
	s5 =	sand.u32 $0x7, s1  }
0x8: {  	s2 =	simm.s32 $0x0;
	s7 =	sshll.u32 s3, $0x8;
	s8 =	sand.u32 $0x80, s28  }
0x9: {  	s29 =	sshll.u32 s5, $0x9;
	[smem:$0x7FF] =	sst s2;
	s9 =	smul.u32 $0x58000, s5  }
0xa: {  	s10 =	ssub.s32 $0x2, s3;
	s3 =	smul.u32 $0x1600, s5;
	s7 =	sor.u32 s7, s8  }
0xb: {  	_ =	strace $0x80000047;
	s11 =	sshrl.u32 s10, $0x1;
	s8 =	sor.u32 s29, s7  }
0xc: {  	s30 =	sadd.s32 s6, s9;
	s10 =	ssub.s32 s10, s11;
	s5 =	sor.u32 $0x170, s3  }
0xd: {  	s6 =	sadd.s32 s6, s7;
	s11 =	simm.s32 $0x400;
	s8 =	sshrl.u32 s8, $0x3  }
0xe: {  	s10 =	smax.u32 s10, $0x1;
	s31 =	sadd.s32 s8, s4;
	s4 =	sadd.s32 s7, s30  }
0xf: {  	s7 =	sadd.s32 $0x2E0, s3;
	s8 =	sadd.s32 $0x1400, s31;
	s9 =	sadd.s32 $0x1600, s31  }
.LBB2_1:
0x10: {  	v10 =	vimm.f32 $-1.000000000e+00  }
0x11: {  	v0 =	vimm.s32 $0x0;
	v9 =	vimm.s32 $0x0;
	v18 =	vimm.s32 $0x0  }
0x12: {  	v19 =	vimm.s32 $0x0;
	v17 =	vimm.s32 $0x0;
	v16 =	vimm.s32 $0x0  }
0x13: {  	v15 =	vimm.s32 $0x0;
	v2 =	vimm.s32 $0x0;
	v13 =	vimm.f32 $-1.000000000e+00  }
0x14: {  	[tilespmem:s2], [sflag:$0x1] =	stream.strided.gather [hbm4b:s4+s11], $0xB800, s12, s11, $0x38;
	v12 =	vimm.f32 $-1.000000000e+00;
	v8 =	vimm.f32 $-1.000000000e+00;
	v7 =	vimm.f32 $-1.000000000e+00;
	[tilespmem:$0x17100] =	vst v63  }
0x15: {  	s20 =	smov.u32 s5;
	s21 =	smov.u32 s3;
	v6 =	vimm.f32 $-1.000000000e+00;
	v4 =	vimm.f32 $-1.000000000e+00;
	v24 =	vimm.f32 $-1.000000000e+00;
	s22 =	simm.s32 $0x0  }
.LBB2_2:
0x16: {  	s24 =	smul.u32 $0x2E0, s22;
	_ =	sdelay $0x1  }
0x17: {  	s23 =	sadd.s32 s24, s5  }
0x18: {  	p0 =	slt.s32 s23, $0xAE90  }
0x19: {  	s23 =	simm.s32 @!p0 $0xAE90  }
0x1a: {  	s23 =	sshll.u32 s23, $0x6  }
0x1b: {  	s23 =	sadd.s32 s23, s6  }
0x1c: {  	[tilespmem:s13], [sflag:$0x2] =	stream.strided.gather [hbm4b:s23+s11], $0xB800, s12, s11, $0x38;
	[tilespmem:$0x17100] =	vst v63  }
0x1d: {  	_ =	swait.ge [sflag:s14], $0xB800  }
0x1e: {  	[sflag:s14] =	ssyncset.done $0x0  }
0x1f: {  	s31 =	simm.s32 $0x40;
	[sflag:s14] =	ssyncadd.s32 $0xFFFF4800  }
0x20: {  	v3 =	vld [tilespmem:s31+$0xFFFFFFC0]  }
0x21: {  	v11 =	vld [tilespmem:s31+$0xFFFFFFD0]  }
0x22: {  	v14 =	vld [tilespmem:s31+$0xFFFFFFE0]  }
0x23: {  	v20 =	vld [tilespmem:s31+$0xFFFFFFF0]  }
0x24: {  	v21 =	vld [tilespmem:s31+$0x0]  }
0x25: {  	v25 =	vld [tilespmem:s31+$0x10]  }
0x26: {  	v26 =	vld [tilespmem:s31+$0x20];
	_ =	sdelay $0x1  }
0x27: {  	s28 =	simm.s32 $0xC0;
	v27 =	vld [tilespmem:s31+$0x30]  }
0x28: {  	v22 =	vld [tilespmem:s28+$0xFFFFFFC0];
	vm0 =	vgt.f32 v3, v24;
	vm1 =	vgt.f32 v11, v4  }
0x29: {  	v1 =	vld [tilespmem:s28+$0xFFFFFFD0];
	vm2 =	vgt.f32 v14, v6;
	vm3 =	vgt.f32 v20, v7;
	vm4 =	vgt.f32 v21, v8  }
0x2a: {  	s25 =	sadd.s32 $0x0, s21;
	v23 =	vld [tilespmem:s28+$0xFFFFFFE0];
	vm5 =	vgt.f32 v25, v12;
	vm6 =	vgt.f32 v26, v13;
	v3 =	vsel vm0, v3, v24  }
0x2b: {  	v5 =	vsel vm0, s25, v2;
	v4 =	vsel vm1, v11, v4;
	v2 =	vld [tilespmem:s28+$0xFFFFFFF0];
	v6 =	vsel vm2, v14, v6  }
0x2c: {  	v7 =	vsel vm3, v20, v7;
	v8 =	vsel vm4, v21, v8;
	v14 =	vld [tilespmem:s28+$0x0];
	vm0 =	vgt.f32 v27, v10  }
0x2d: {  	v11 =	vld [tilespmem:s28+$0x10];
	v12 =	vsel vm5, v25, v12;
	v13 =	vsel vm6, v26, v13;
	v15 =	vsel vm1, s25, v15  }
0x2e: {  	s26 =	simm.s32 $0x1;
	p0 =	slt.s32 s20, $0xAE90;
	s23 =	smov.u32 s20;
	v20 =	vld [tilespmem:s28+$0x20];
	v16 =	vsel vm2, s25, v16;
	v17 =	vsel vm3, s25, v17;
	v19 =	vsel vm4, s25, v19  }
0x2f: {  	s29 =	simm.s32 $0x2;
	s23 =	simm.s32 @!p0 $0xAE90;
	v21 =	vld [tilespmem:s28+$0x30];
	s28 =	simm.s32 $0x140;
	v18 =	vsel vm5, s25, v18;
	v9 =	vsel vm6, s25, v9;
	v10 =	vsel vm0, v27, v10  }
.LBB2_3:
0x30: {  	v24 =	vld [tilespmem:s28+$0xFFFFFFC0];
	p0 =	sne.s32 s29, $0x16F;
	vm1 =	vgt.f32 v22, v3;
	vm2 =	vgt.f32 v1, v4;
	v0 =	vsel vm0, s25, v0;
	s25 =	sadd.s32 s26, s21;
	s26 =	smov.u32 s29  }
0x31: {  	v3 =	vsel vm1, v22, v3;
	v5 =	vsel vm1, s25, v5;
	v4 =	vsel vm2, v1, v4;
	v1 =	vld [tilespmem:s28+$0xFFFFFFD0]  }
0x32: {  	vm3 =	vgt.f32 v2, v7;
	vm1 =	vgt.f32 v23, v6;
	vm4 =	vgt.f32 v14, v8;
	v25 =	vld [tilespmem:s28+$0xFFFFFFE0]  }
.Ltmp0:
0x33: {  	v7 =	vsel vm3, v2, v7;
	v6 =	vsel vm1, v23, v6;
	v8 =	vsel vm4, v14, v8;
	v2 =	vld [tilespmem:s28+$0xFFFFFFF0];
	(pc) =	sbr.rel @p0 .LBB2_3-.Ltmp0, $4  }
0x34: {  	vm5 =	vgt.f32 v11, v12;
	vm6 =	vgt.f32 v20, v13;
	v14 =	vld [tilespmem:s28+$0x0];
	vm0 =	vgt.f32 v21, v10  }
0x35: {  	v12 =	vsel vm5, v11, v12;
	v13 =	vsel vm6, v20, v13;
	v11 =	vld [tilespmem:s28+$0x10];
	v10 =	vsel vm0, v21, v10;
	v22 =	vmovc v24  }
0x36: {  	v15 =	vsel vm2, s25, v15;
	v17 =	vsel vm3, s25, v17;
	v16 =	vsel vm1, s25, v16;
	v20 =	vld [tilespmem:s28+$0x20]  }
0x37: {  	s29 =	sadd.s32 $0x1, s29;
	v19 =	vsel vm4, s25, v19;
	v18 =	vsel vm5, s25, v18;
	v9 =	vsel vm6, s25, v9;
	v21 =	vld [tilespmem:s28+$0x30];
	s28 =	sadd.s32 $0x80, s28;
	v23 =	vmovc v25  }
0x38: {  	s24 =	sadd.s32 s24, s7  }
0x39: {  	p0 =	slt.s32 s24, $0xAE90  }
0x3a: {  	s24 =	simm.s32 @!p0 $0xAE90  }
0x3b: {  	s24 =	sshll.u32 s24, $0x6  }
0x3c: {  	s28 =	simm.s32 $0x0;
	s24 =	sadd.s32 s24, s6  }
0x3d: {  	[tilespmem:s28], [sflag:$0x1] =	stream.strided.gather [hbm4b:s24+s11], $0xB800, s12, s11, $0x38;
	[tilespmem:$0x17100] =	vst v63  }
0x3e: {  	_ =	swait.ge [sflag:s15], $0xB800  }
0x3f: {  	[sflag:s15] =	ssyncset.done $0x0  }
0x40: {  	s31 =	simm.s32 $0xB840;
	[sflag:s15] =	ssyncadd.s32 $0xFFFF4800  }
0x41: {  	v24 =	vld [tilespmem:s31+$0xFFFFFFC0]  }
0x42: {  	vm1 =	vgt.f32 v22, v3;
	vm2 =	vgt.f32 v1, v4;
	v0 =	vsel vm0, s25, v0;
	v26 =	vld [tilespmem:s31+$0xFFFFFFD0]  }
0x43: {  	s26 =	sadd.s32 s26, s21;
	vm0 =	vgt.f32 v23, v6;
	v3 =	vsel vm1, v22, v3;
	vm3 =	vgt.f32 v14, v8;
	v27 =	vld [tilespmem:s31+$0xFFFFFFE0]  }
0x44: {  	v5 =	vsel vm1, s26, v5;
	v25 =	vsel vm2, v1, v4;
	v8 =	vsel vm3, v14, v8;
	v14 =	vld [tilespmem:s31+$0xFFFFFFF0]  }
0x45: {  	vm1 =	vgt.f32 v2, v7;
	vm5 =	vgt.f32 v20, v13;
	vm6 =	vgt.f32 v21, v10;
	v28 =	vld [tilespmem:s31+$0x0]  }
0x46: {  	v6 =	vsel vm0, v23, v6;
	v13 =	vsel vm5, v20, v13;
	v20 =	vsel vm6, v21, v10;
	v10 =	vld [tilespmem:s31+$0x10]  }
0x47: {  	v15 =	vsel vm2, s26, v15;
	v16 =	vsel vm0, s26, v16;
	v7 =	vsel vm1, v2, v7;
	v21 =	vld [tilespmem:s31+$0x20]  }
0x48: {  	vm4 =	vgt.f32 v11, v12;
	v17 =	vsel vm1, s26, v17;
	v19 =	vsel vm3, s26, v19  }
0x49: {  	v11 =	vsel vm4, v11, v12;
	v18 =	vsel vm4, s26, v18;
	v29 =	vsel vm5, s26, v9;
	s28 =	simm.s32 $0xB8C0;
	v30 =	vld [tilespmem:s31+$0x30]  }
0x4a: {  	v0 =	vsel vm6, s26, v0;
	v22 =	vld [tilespmem:s28+$0xFFFFFFC0];
	vm0 =	vgt.f32 v24, v3;
	vm1 =	vgt.f32 v26, v25  }
0x4b: {  	v1 =	vld [tilespmem:s28+$0xFFFFFFD0];
	vm2 =	vgt.f32 v27, v6;
	vm3 =	vgt.f32 v14, v7;
	vm13 =	vgt.f32 v28, v8  }
0x4c: {  	s24 =	sadd.s32 $0x0, s23;
	v23 =	vld [tilespmem:s28+$0xFFFFFFE0];
	vm14 =	vgt.f32 v10, v11;
	vm15 =	vgt.f32 v21, v13;
	v2 =	vsel vm0, v24, v3  }
0x4d: {  	v12 =	vld [tilespmem:s28+$0x0];
	v4 =	vsel vm0, s24, v5;
	v3 =	vsel vm1, v26, v25;
	v6 =	vsel vm2, v27, v6  }
0x4e: {  	v9 =	vld [tilespmem:s28+$0x10];
	v7 =	vsel vm3, v14, v7;
	v8 =	vsel vm13, v28, v8;
	vm0 =	vgt.f32 v30, v20  }
0x4f: {  	v5 =	vld [tilespmem:s28+$0xFFFFFFF0];
	v10 =	vsel vm14, v10, v11;
	v11 =	vsel vm15, v21, v13;
	v15 =	vsel vm1, s24, v15  }
0x50: {  	v13 =	vld [tilespmem:s28+$0x20];
	v16 =	vsel vm2, s24, v16;
	v17 =	vsel vm3, s24, v17;
	v19 =	vsel vm13, s24, v19  }
0x51: {  	s25 =	simm.s32 $0x1;
	s26 =	simm.s32 $0xB940;
	v21 =	vld [tilespmem:s28+$0x30];
	s28 =	simm.s32 $0x2;
	v18 =	vsel vm14, s24, v18;
	v14 =	vsel vm0, v30, v20;
	v20 =	vsel vm15, s24, v29  }
.LBB2_5:
0x52: {  	v24 =	vld [tilespmem:s26+$0xFFFFFFC0];
	p0 =	sne.s32 s28, $0x16F;
	vm1 =	vgt.f32 v22, v2;
	vm2 =	vgt.f32 v1, v3;
	v0 =	vsel vm0, s24, v0;
	s24 =	sadd.s32 s25, s23;
	s25 =	smov.u32 s28  }
0x53: {  	v2 =	vsel vm1, v22, v2;
	v4 =	vsel vm1, s24, v4;
	v3 =	vsel vm2, v1, v3;
	v1 =	vld [tilespmem:s26+$0xFFFFFFD0]  }
0x54: {  	vm3 =	vgt.f32 v5, v7;
	vm1 =	vgt.f32 v23, v6;
	vm4 =	vgt.f32 v12, v8;
	v25 =	vld [tilespmem:s26+$0xFFFFFFE0]  }
.Ltmp1:
0x55: {  	v7 =	vsel vm3, v5, v7;
	v6 =	vsel vm1, v23, v6;
	v8 =	vsel vm4, v12, v8;
	v5 =	vld [tilespmem:s26+$0xFFFFFFF0];
	(pc) =	sbr.rel @p0 .LBB2_5-.Ltmp1, $4  }
0x56: {  	vm5 =	vgt.f32 v9, v10;
	vm6 =	vgt.f32 v13, v11;
	v12 =	vld [tilespmem:s26+$0x0];
	vm0 =	vgt.f32 v21, v14  }
0x57: {  	v10 =	vsel vm5, v9, v10;
	v11 =	vsel vm6, v13, v11;
	v9 =	vld [tilespmem:s26+$0x10];
	v14 =	vsel vm0, v21, v14;
	v22 =	vmovc v24  }
0x58: {  	v15 =	vsel vm2, s24, v15;
	v17 =	vsel vm3, s24, v17;
	v16 =	vsel vm1, s24, v16;
	v13 =	vld [tilespmem:s26+$0x20]  }
0x59: {  	s28 =	sadd.s32 $0x1, s28;
	v19 =	vsel vm4, s24, v19;
	v18 =	vsel vm5, s24, v18;
	v20 =	vsel vm6, s24, v20;
	v21 =	vld [tilespmem:s26+$0x30];
	s26 =	sadd.s32 $0x80, s26;
	v23 =	vmovc v25  }
0x5a: {  	vm1 =	vgt.f32 v22, v2  }
0x5b: {  	s23 =	sadd.s32 s25, s23;
	vm2 =	vgt.f32 v1, v3;
	v0 =	vsel vm0, s24, v0;
	vm14 =	vgt.f32 v23, v6  }
0x5c: {  	vm15 =	vgt.f32 v5, v7;
	s22 =	sadd.s32 $0x1, s22;
	v24 =	vsel vm1, v22, v2;
	v2 =	vsel vm1, s23, v4  }
0x5d: {  	v4 =	vsel vm2, v1, v3;
	vm3 =	vgt.f32 v12, v8;
	v6 =	vsel vm14, v23, v6;
	p0 =	sne.s32 s22, $0x8  }
.Ltmp2:
0x5e: {  	v7 =	vsel vm15, v5, v7;
	v15 =	vsel vm2, s23, v15;
	v16 =	vsel vm14, s23, v16;
	(pc) =	sbr.rel @p0 .LBB2_2-.Ltmp2, $4  }
0x5f: {  	v17 =	vsel vm15, s23, v17;
	v8 =	vsel vm3, v12, v8;
	vm4 =	vgt.f32 v9, v10  }
0x60: {  	v19 =	vsel vm3, s23, v19;
	vm5 =	vgt.f32 v13, v11;
	v12 =	vsel vm4, v9, v10  }
0x61: {  	v18 =	vsel vm4, s23, v18;
	vm6 =	vgt.f32 v21, v14;
	v13 =	vsel vm5, v13, v11  }
0x62: {  	s21 =	sadd.s32 $0x2E0, s21;
	s20 =	sadd.s32 $0x2E0, s20;
	v9 =	vsel vm5, s23, v20;
	v10 =	vsel vm6, v21, v14;
	v0 =	vsel vm6, s23, v0  }
0x63: {  	_ =	swait.ge [sflag:s14], $0xB800  }
0x64: {  	[sflag:s14] =	ssyncset.done $0x0  }
0x65: {  	[sflag:s14] =	ssyncadd.s32 $0xFFFF4800  }
0x66: {  	[tilespmem:$0x17000] =	vst v24  }
0x67: {  	[tilespmem:$0x17080] =	vst v2  }
0x68: {  	[tilespmem:$0x17010] =	vst v4  }
0x69: {  	[tilespmem:$0x17090] =	vst v15  }
0x6a: {  	[tilespmem:$0x17020] =	vst v6  }
0x6b: {  	[tilespmem:$0x170A0] =	vst v16  }
0x6c: {  	[tilespmem:$0x17030] =	vst v7  }
0x6d: {  	[tilespmem:$0x170B0] =	vst v17  }
0x6e: {  	[tilespmem:$0x17040] =	vst v8  }
0x6f: {  	[tilespmem:$0x170C0] =	vst v19  }
0x70: {  	[tilespmem:$0x17050] =	vst v12  }
0x71: {  	[tilespmem:$0x170D0] =	vst v18  }
0x72: {  	[tilespmem:$0x17060] =	vst v13  }
0x73: {  	[tilespmem:$0x170E0] =	vst v9  }
0x74: {  	[tilespmem:$0x17070] =	vst v10  }
0x75: {  	[tilespmem:$0x170F0] =	vst v0  }
0x76: {  	[hbm4b:s8+s2] =	stream.linear.scatter [tilespmem:s16], [sflag:$0x3], $0x80, $0x38;
	[tilespmem:$0x17100] =	vst v63  }
0x77: {  	s19 =	sadd.s32 $0x1, s19;
	_ =	swait.ge [sflag:s17], $0x80  }
0x78: {  	p0 =	sne.s32 s19, s10;
	[sflag:s17] =	ssyncset.done $0x0  }
.Ltmp3:
0x79: {  	[sflag:s17] =	ssyncadd.s32 $0xFFFFFF80;
	(pc) =	sbr.rel @p0 .LBB2_1-.Ltmp3, $4  }
0x7a: {  	[hbm4b:s9+s2] =	stream.linear.scatter [tilespmem:s18], [sflag:$0x3], $0x80, $0x38;
	[tilespmem:$0x17100] =	vst v63  }
0x7b: {  	_ =	swait.ge [sflag:s17], $0x80  }
0x7c: {  	[sflag:s17] =	ssyncset.done $0x0  }
0x7d: {  	[sflag:s17] =	ssyncadd.s32 $0xFFFFFF80  }
0x7e: {  	_ =	sfence.sel $0x180000  }
0x7f: {  	[bflag:$0x0] =	sbarrier.arrive $0xFFFF  }
0x80: {  	p0 =	sne.s32 s1, $0x0;
	_ =	strace $0x90000047  }
0x81: {  	s0 =	sadd.s32 @!p0 $0x100000, s0;
	[bflag:$0x2] =	sbarrier.arrive $0xFFFF  }
0x82: {  	[sflag:s0] =	ssyncadd.tile.s32 @!p0 $0x1;
	_ =	shalt  }
.Lfunc_end2:
_tile_overlayer_lowered:
.L_overlay_start_2:
0x83: {  	(tag) =	ssettag $0x2  }
0x84: {  	s0 =	rddreg [dreg:$0x0];
	s2 =	stileid.u32  }
0x85: {  	s1 =	rddreg [dreg:$0x1];
	p0 =	sne.s32 s2, $0x0  }
0x86: {  	s3 =	rddreg [dreg:$0x2];
	[bflag:$0x3] =	sbarrier.arrive $0xFFFF;
	s2 =	simm.s32 @!p0 $0x1C03  }
0x87: {  	[timem:s3], [sflag:s2] =	dma.local @!p0 [hbm:s0], s1  }
0x88: {  	s0 =	simm.s32 @!p0 $0x3  }
0x89: {  	_ =	swait.ge @!p0 [sflag:s0], s1  }
0x8a: {  	s1 =	ssub.s32 @!p0 $0x0, s1;
	[sflag:s0] =	ssyncset.done @!p0 $0x0  }
0x8b: {  	[sflag:s0] =	ssyncadd.s32 @!p0 s1  }
0x8c: {  	[bflag:$0x3] =	sbarrier.arrive $0xFFFF  }
0x8d: {  	_ =	shalt  }

</sc_bundles>
